<compile_context>
chip_gen: v7x
topology: tpu7x:2x2x1
jax: 0.10.2.dev20260603
libtpu: 0.0.44.dev20260713+nightly
codegen_flags: <defaults>
</compile_context>

<pallas_src>
import functools

import jax
import jax.numpy as jnp
from jax import lax
from jax.experimental import pallas as pl
from jax.experimental.pallas import tpu as pltpu
from jax.experimental.pallas import tpu_sc as plsc

V = 16
B = 8
N = 100000
NBINS = V * V * V

NC = 2
NS = 16
L = 16

WPB = (NC * NS) // B
CHUNK_PTS = 4000
NCHUNK = N // CHUNK_PTS
UNROLL = 10
GROUPS = CHUNK_PTS // (L * UNROLL)


def _neighbour_table():
    shp = (B, V, V, V, 27, 3)
    d = lax.broadcasted_iota(jnp.int32, shp, 5)
    x = lax.broadcasted_iota(jnp.int32, shp, 1)
    y = lax.broadcasted_iota(jnp.int32, shp, 2)
    z = lax.broadcasted_iota(jnp.int32, shp, 3)
    m = lax.broadcasted_iota(jnp.int32, shp, 4)
    den = jnp.where(d == 0, 9, jnp.where(d == 1, 3, 1))
    mv = lax.rem(lax.div(m, den), 3) - 1
    gv = jnp.where(d == 0, x, jnp.where(d == 1, y, z))
    return gv + mv




SEG = N


def _vox_id_body(pc_ref, out_ref):
    for b in range(B):
        x = pc_ref[0, b, :]
        y = pc_ref[1, b, :]
        z = pc_ref[2, b, :]
        vx = (x * float(V - 1)).astype(jnp.int32)
        vy = (y * float(V - 1)).astype(jnp.int32)
        vz = (z * float(V - 1)).astype(jnp.int32)
        out_ref[pl.ds(b * N, N)] = vx * (V * V) + vy * V + vz


_vox_id = pl.pallas_call(
    _vox_id_body,
    out_shape=jax.ShapeDtypeStruct((B * N,), jnp.int32),
)




def _voxel_body(idx_hbm, out_hbm, ibuf, occ, cbuf, shared, sem):
    c = lax.axis_index("c")
    s = lax.axis_index("s")
    batch = c * (B // NC) + s // WPB
    q = s % WPB

    iota16 = lax.iota(jnp.int32, L)
    ones_f = jnp.full((L,), 1.0, jnp.float32)
    zeros_f = jnp.zeros((L,), jnp.float32)

    col = jnp.where(q == 0, 1, jnp.where(q == 1, 0, q))
    nch = jnp.where(col == 0, NCHUNK - (WPB - 1) * (NCHUNK // WPB), NCHUNK // WPB)

    def chunk_off(i):
        return batch * SEG + (col + i * WPB) * CHUNK_PTS

    pltpu.async_copy(
        idx_hbm.at[pl.ds(chunk_off(0), CHUNK_PTS)],
        ibuf.at[pl.ds(0, CHUNK_PTS)],
        sem,
    )

    def zbody(i, carry):
        occ[pl.ds(i * L, L)] = zeros_f
        return carry

    lax.fori_loop(0, NBINS // L, zbody, 0)

    def chunk_body(i, carry):
        base = (i % 2) * CHUNK_PTS
        nbase = ((i + 1) % 2) * CHUNK_PTS
        pltpu.make_async_copy(
            idx_hbm.at[pl.ds(chunk_off(i), CHUNK_PTS)],
            ibuf.at[pl.ds(base, CHUNK_PTS)],
            sem,
        ).wait()

        @pl.when(i + 1 < nch)
        def _():
            pltpu.async_copy(
                idx_hbm.at[pl.ds(chunk_off(i + 1), CHUNK_PTS)],
                ibuf.at[pl.ds(nbase, CHUNK_PTS)],
                sem,
            )

        def group_body(g, carry2):
            gbase = base + g * (L * UNROLL)
            lins = [ibuf[pl.ds(gbase + u * L, L)] for u in range(UNROLL)]
            for u in range(UNROLL):
                plsc.store_scatter(occ, [lins[u]], ones_f)
            return carry2

        lax.fori_loop(0, GROUPS, group_body, 0)
        return carry

    lax.fori_loop(0, nch, chunk_body, 0)

    @pl.when(q != 0)
    def _():
        pltpu.sync_copy(occ, shared.at[s])

    plsc.subcore_barrier()

    @pl.when(q == 0)
    def _():
        for j in range(1, WPB):
            pltpu.sync_copy(
                shared.at[s + j], cbuf.at[pl.ds((j - 1) * NBINS, NBINS)]
            )

        FU = 4

        def fbody(i, mv):
            hits = []
            for u in range(FU):
                k = i * FU + u
                v = occ[pl.ds(k * L, L)]
                for j in range(1, WPB):
                    v = jnp.maximum(v, cbuf[pl.ds((j - 1) * NBINS + k * L, L)])
                hits.append(v > 0.0)
            for u in range(FU):
                k = i * FU + u
                hit = hits[u]
                occ[pl.ds(k * L, L)] = jnp.where(hit, 1.0, 0.0).astype(
                    jnp.float32
                )
                cand = jnp.where(hit, iota16 + k * L, -1)
                mv = jnp.maximum(mv, cand)
            return mv

        mv = lax.fori_loop(
            0, NBINS // (L * FU), fbody, jnp.full((L,), -1, jnp.int32)
        )
        m = jnp.max(mv)
        plsc.store_scatter(
            occ, [jnp.broadcast_to(m, (L,))], zeros_f, mask=iota16 == 0
        )
        pltpu.sync_copy(occ, out_hbm.at[pl.ds(batch * NBINS, NBINS)])


_voxel_sc = functools.partial(
    pl.kernel,
    out_type=jax.ShapeDtypeStruct((B * NBINS,), jnp.float32),
    mesh=plsc.VectorSubcoreMesh(
        core_axis_name="c", subcore_axis_name="s", num_cores=NC, num_subcores=NS
    ),
    scratch_types=[
        pltpu.VMEM((2 * CHUNK_PTS,), jnp.int32),
        pltpu.VMEM((NBINS,), jnp.float32),
        pltpu.VMEM(((WPB - 1) * NBINS,), jnp.float32),
        pltpu.VMEM_SHARED((NS, NBINS), jnp.float32),
        pltpu.SemaphoreType.DMA,
    ],
    compiler_params=pltpu.CompilerParams(needs_layout_passes=False),
)(_voxel_body)


def kernel(point_cloud):
    pc_t = jnp.transpose(point_cloud, (2, 0, 1))
    ids = _vox_id(pc_t)
    mask_flat = _voxel_sc(ids)
    mask = mask_flat.reshape(B, V, V, V)
    return (_neighbour_table(), mask)

# --- scband reference (transcript-rebuilt; emitter-appended) ---
"""Pipeline reference for scband-voxel-module-46170898432069 (READ-ONLY COPY).

The authoritative reference and input builder live on the scoring server;
editing this copy changes nothing except your own understanding.
"""

import jax, jax.numpy as jnp
import numpy as np

VOXEL_SIZE = 16
BATCH = 8
N_POINTS = 100000


def _build_neighbour_list(voxel_size, batch_size):
    # exact torch neighbour ordering: i outer, j middle, k inner over (-1,0,1)
    moves = jnp.array([[i, j, k] for i in (-1, 0, 1) for j in (-1, 0, 1) for k in (-1, 0, 1)], dtype=jnp.int32)
    ax = jnp.arange(voxel_size, dtype=jnp.int32)
    gi, gj, gk = jnp.meshgrid(ax, ax, ax, indexing='ij')
    grid = jnp.stack([gi, gj, gk], axis=-1)  # [V,V,V,3]
    neigh = grid[:, :, :, None, :] + moves[None, None, None, :, :]  # [V,V,V,27,3]
    neigh = jnp.broadcast_to(neigh[None], (batch_size,) + neigh.shape)
    return neigh.astype(jnp.int32)


def setup_inputs(seed: int = 0) -> dict:
    key = jax.random.key(seed)
    point_cloud = jax.random.uniform(key, (BATCH, N_POINTS, 3), dtype=jnp.float32)
    return {"point_cloud": point_cloud}


def reference(point_cloud):
    V = VOXEL_SIZE
    B = point_cloud.shape[0]
    neighbour_voxel_list = _build_neighbour_list(V, B)

    def per_batch(pc):
        # point -> voxel coords, same truncation as torch .int()
        ptv = (pc * (V - 1)).astype(jnp.int32)  # [N,3]
        keys = ptv[:, 0] * 10000 + ptv[:, 1] * 100 + ptv[:, 2]
        sorted_idx = jnp.argsort(keys)
        sorted_vals = keys[sorted_idx]
        # boundary positions: array1 != array2 in torch (positions 0..N-2)
        boundary = (sorted_vals[:-1] != sorted_vals[1:]).astype(jnp.float32)  # [N-1]
        # mask[x][y][z] = 1 at each cut point (voxel of the point closing a group)
        cut_coords = ptv[sorted_idx[:-1]]  # [N-1,3]
        mask = jnp.zeros((V, V, V), dtype=jnp.float32)
        mask = mask.at[cut_coords[:, 0], cut_coords[:, 1], cut_coords[:, 2]].max(boundary)
        return mask

    mask = jax.vmap(per_batch)(point_cloud)
    # the torch module also returns per-batch python dicts mapping voxel -> point-index
    # lists; that host-side ragged structure is not expressible as a dense array, so
    # the array outputs (neighbour table, occupancy mask) are returned here.
    return (neighbour_voxel_list, mask)

if __name__ == "__main__":
    import jax
    _d = setup_inputs()
    print(jax.jit(kernel)(*tuple(_d.values())))

</pallas_src>

<mosaic_0001>
#map = affine_map<(d0, d1) -> (0)>
module attributes {stable_mosaic.version = 14 : i64} {
  func.func @_voxel_body(%arg0: i32, %arg1: i32, %arg2: memref<800000xi32, #tpu.memory_space<hbm>>, %arg3: memref<32768xf32, #tpu.memory_space<hbm>>, %arg4: memref<8000xi32, #tpu.memory_space<vmem>>, %arg5: memref<4096xf32, #tpu.memory_space<vmem>>, %arg6: memref<12288xf32, #tpu.memory_space<vmem>>, %arg7: memref<16x4096xf32, #tpu.memory_space<vmem_shared>>, %arg8: memref<!tpu.dma_semaphore, #tpu.memory_space<semaphore_mem>>) attributes {dimension_semantics = [#tpu.dimension_semantics<core_parallel>, #tpu.dimension_semantics<subcore_parallel>], iteration_bounds = array<i64: 2, 16>, scalar_prefetch = 0 : i64, scratch_operands = 5 : i64, tpu.core_type = #tpu.core_type<sc_vector_subcore>, window_params = [{transform_indices = #map}, {transform_indices = #map}]} {
    %mul3A = arith.constant 4 : i32
    %mul3A_0 = arith.muli %arg0, %mul3A : i32
    %jit3A = arith.constant 4 : i32
    %div3A = arith.divsi %arg1, %jit3A : i32
    %sign3A = arith.constant 0 : i32
    %sign3A_1 = arith.cmpi sgt, %arg1, %sign3A : i32
    %sign3A_2 = arith.extui %sign3A_1 : i1 to i32
    %sign3A_3 = arith.constant 0 : i32
    %sign3A_4 = arith.cmpi slt, %arg1, %sign3A_3 : i32
    %sign3A_5 = arith.extui %sign3A_4 : i1 to i32
    %sign3A_6 = arith.subi %sign3A_2, %sign3A_5 : i32
    %sign3A_7 = arith.constant 0 : i32
    %sign3A_8 = arith.cmpi sgt, %jit3A, %sign3A_7 : i32
    %sign3A_9 = arith.extui %sign3A_8 : i1 to i32
    %sign3A_10 = arith.constant 0 : i32
    %sign3A_11 = arith.cmpi slt, %jit3A, %sign3A_10 : i32
    %sign3A_12 = arith.extui %sign3A_11 : i1 to i32
    %sign3A_13 = arith.subi %sign3A_9, %sign3A_12 : i32
    %ne3A = arith.cmpi ne, %sign3A_6, %sign3A_13 : i32
    %rem3A = arith.remsi %arg1, %jit3A : i32
    %ne3A_14 = arith.constant 0 : i32
    %ne3A_15 = arith.cmpi ne, %rem3A, %ne3A_14 : i32
    %and3A = arith.andi %ne3A, %ne3A_15 : i1
    %sub3A = arith.constant 1 : i32
    %sub3A_16 = arith.subi %div3A, %sub3A : i32
    %select_n3A = arith.select %and3A, %sub3A_16, %div3A : i32
    %add3A = arith.addi %mul3A_0, %select_n3A : i32
    %jit3A_17 = arith.constant 4 : i32
    %eq3A = arith.constant 0 : i32
    %eq3A_18 = arith.cmpi eq, %jit3A_17, %eq3A : i32
    %jit3A_19 = arith.constant 1 : i32
    %select_n3A_20 = arith.select %eq3A_18, %jit3A_19, %jit3A_17 : i32
    %rem3A_21 = arith.remsi %arg1, %select_n3A_20 : i32
    %ne3A_22 = arith.constant 0 : i32
    %ne3A_23 = arith.cmpi ne, %rem3A_21, %ne3A_22 : i32
    %lt3A = arith.constant 0 : i32
    %lt3A_24 = arith.cmpi slt, %rem3A_21, %lt3A : i32
    %lt3A_25 = arith.constant 0 : i32
    %lt3A_26 = arith.cmpi slt, %select_n3A_20, %lt3A_25 : i32
    %ne3A_27 = arith.xori %lt3A_24, %lt3A_26 : i1
    %and3A_28 = arith.andi %ne3A_27, %ne3A_23 : i1
    %add3A_29 = arith.addi %rem3A_21, %select_n3A_20 : i32
    %select_n3A_30 = arith.select %and3A_28, %add3A_29, %rem3A_21 : i32
    %iota3A = tpu.iota {dimensions = array<i32: 0>} : vector<16xi32>
    %broadcast_in_dim3A = arith.constant 1.000000e+00 : f32
    %broadcast_in_dim3A_31 = vector.broadcast %broadcast_in_dim3A : f32 to vector<16xf32>
    %broadcast_in_dim3A_32 = arith.constant 0.000000e+00 : f32
    %broadcast_in_dim3A_33 = vector.broadcast %broadcast_in_dim3A_32 : f32 to vector<16xf32>
    %eq3A_34 = arith.constant 0 : i32
    %eq3A_35 = arith.cmpi eq, %select_n3A_30, %eq3A_34 : i32
    %eq3A_36 = arith.constant 1 : i32
    %eq3A_37 = arith.cmpi eq, %select_n3A_30, %eq3A_36 : i32
    %jit3A_38 = arith.constant 0 : i32
    %select_n3A_39 = arith.select %eq3A_37, %jit3A_38, %select_n3A_30 : i32
    %jit3A_40 = arith.constant 1 : i32
    %select_n3A_41 = arith.select %eq3A_35, %jit3A_40, %select_n3A_39 : i32
    %eq3A_42 = arith.constant 0 : i32
    %eq3A_43 = arith.cmpi eq, %select_n3A_41, %eq3A_42 : i32
    %jit3A_44 = arith.constant 7 : i32
    %jit3A_45 = arith.constant 6 : i32
    %select_n3A_46 = arith.select %eq3A_43, %jit3A_44, %jit3A_45 : i32
    %mul3A_47 = arith.constant 100000 : i32
    %mul3A_48 = arith.muli %add3A, %mul3A_47 : i32
    %add3A_49 = arith.constant 0 : i32
    %add3A_50 = arith.addi %select_n3A_41, %add3A_49 : i32
    %mul3A_51 = arith.constant 4000 : i32
    %mul3A_52 = arith.muli %add3A_50, %mul3A_51 : i32
    %add3A_53 = arith.addi %mul3A_48, %mul3A_52 : i32
    %dma_start3A = arith.constant 0 : i32
    %dma_start3A_54 = tpu.memref_slice %arg4[%dma_start3A] : memref<8000xi32, #tpu.memory_space<vmem>> -> memref<4000xi32, #tpu.memory_space<vmem>>
    %dma_start3A_55 = tpu.memref_slice %arg2[%add3A_53] : memref<800000xi32, #tpu.memory_space<hbm>> -> memref<4000xi32, #tpu.memory_space<hbm>>
    %dma_start3A_56 = arith.constant 0 : i32
    %dma_start3A_57 = tpu.memref_slice %arg4[%dma_start3A_56] : memref<8000xi32, #tpu.memory_space<vmem>> -> memref<4000xi32, #tpu.memory_space<vmem>>
    %dma_start3A_58 = tpu.memref_slice %arg2[%add3A_53] : memref<800000xi32, #tpu.memory_space<hbm>> -> memref<4000xi32, #tpu.memory_space<hbm>>
    tpu.enqueue_dma source(%dma_start3A_58 : memref<4000xi32, #tpu.memory_space<hbm>>) target(%dma_start3A_57 : memref<4000xi32, #tpu.memory_space<vmem>>) target_semaphore(%arg8 : memref<!tpu.dma_semaphore, #tpu.memory_space<semaphore_mem>>)
    %scan3A = arith.constant 0 : i32
    %scan3A_59 = arith.constant 0 : i32
    %scan3A_60 = arith.constant 256 : i32
    %scan3A_61 = arith.addi %scan3A_59, %scan3A_60 : i32
    %scan3A_62 = arith.constant 1 : i32
    scf.for %scan3A_81 = %scan3A_59 to %scan3A_61 step %scan3A_62  : i32 {
      %mul3A_82 = arith.constant 16 : i32
      %mul3A_83 = arith.muli %scan3A_81, %mul3A_82 : i32
      %swap3A = arith.index_cast %mul3A_83 : i32 to index
      %swap3A_84 = tpu.vector_load %arg5[%swap3A] {strides = array<i32>} : memref<4096xf32, #tpu.memory_space<vmem>>, vector<16xf32>,
      tpu.vector_store %arg5[%swap3A], %broadcast_in_dim3A_33 {strides = array<i32>} : memref<4096xf32, #tpu.memory_space<vmem>>, vector<16xf32>,
    }
    %scan3A_63 = arith.constant 256 : i32
    %while3A = arith.constant 0 : i32
    %while3A_64 = arith.constant 0 : i32
    %while3A_65 = arith.subi %select_n3A_46, %while3A_64 : i32
    %while3A_66 = arith.addi %while3A_64, %while3A_65 : i32
    %while3A_67 = arith.constant 1 : i32
    %while3A_68 = arith.divsi %while3A_65, %while3A_67 : i32
    %while3A_69 = arith.muli %while3A_68, %while3A_67 : i32
    %while3A_70 = arith.addi %while3A_64, %while3A_69 : i32
    %while3A_71 = arith.constant 1 : i32
    scf.for %while3A_81 = %while3A_64 to %while3A_70 step %while3A_71  : i32 {
      %jit3A_82 = arith.constant 2 : i32
      %eq3A_83 = arith.constant 0 : i32
      %eq3A_84 = arith.cmpi eq, %jit3A_82, %eq3A_83 : i32
      %jit3A_85 = arith.constant 1 : i32
      %select_n3A_86 = arith.select %eq3A_84, %jit3A_85, %jit3A_82 : i32
      %rem3A_87 = arith.remsi %while3A_81, %select_n3A_86 : i32
      %ne3A_88 = arith.constant 0 : i32
      %ne3A_89 = arith.cmpi ne, %rem3A_87, %ne3A_88 : i32
      %lt3A_90 = arith.constant 0 : i32
      %lt3A_91 = arith.cmpi slt, %rem3A_87, %lt3A_90 : i32
      %lt3A_92 = arith.constant 0 : i32
      %lt3A_93 = arith.cmpi slt, %select_n3A_86, %lt3A_92 : i32
      %ne3A_94 = arith.xori %lt3A_91, %lt3A_93 : i1
      %and3A_95 = arith.andi %ne3A_94, %ne3A_89 : i1
      %add3A_96 = arith.addi %rem3A_87, %select_n3A_86 : i32
      %select_n3A_97 = arith.select %and3A_95, %add3A_96, %rem3A_87 : i32
      %mul3A_98 = arith.constant 4000 : i32
      %mul3A_99 = arith.muli %select_n3A_97, %mul3A_98 : i32
      %add3A_100 = arith.constant 1 : i32
      %add3A_101 = arith.addi %while3A_81, %add3A_100 : i32
      %jit3A_102 = arith.constant 2 : i32
      %eq3A_103 = arith.constant 0 : i32
      %eq3A_104 = arith.cmpi eq, %jit3A_102, %eq3A_103 : i32
      %jit3A_105 = arith.constant 1 : i32
      %select_n3A_106 = arith.select %eq3A_104, %jit3A_105, %jit3A_102 : i32
      %rem3A_107 = arith.remsi %add3A_101, %select_n3A_106 : i32
      %ne3A_108 = arith.constant 0 : i32
      %ne3A_109 = arith.cmpi ne, %rem3A_107, %ne3A_108 : i32
      %lt3A_110 = arith.constant 0 : i32
      %lt3A_111 = arith.cmpi slt, %rem3A_107, %lt3A_110 : i32
      %lt3A_112 = arith.constant 0 : i32
      %lt3A_113 = arith.cmpi slt, %select_n3A_106, %lt3A_112 : i32
      %ne3A_114 = arith.xori %lt3A_111, %lt3A_113 : i1
      %and3A_115 = arith.andi %ne3A_114, %ne3A_109 : i1
      %add3A_116 = arith.addi %rem3A_107, %select_n3A_106 : i32
      %select_n3A_117 = arith.select %and3A_115, %add3A_116, %rem3A_107 : i32
      %mul3A_118 = arith.constant 4000 : i32
      %mul3A_119 = arith.muli %select_n3A_117, %mul3A_118 : i32
      %mul3A_120 = arith.constant 100000 : i32
      %mul3A_121 = arith.muli %add3A, %mul3A_120 : i32
      %mul3A_122 = arith.constant 4 : i32
      %mul3A_123 = arith.muli %while3A_81, %mul3A_122 : i32
      %add3A_124 = arith.addi %select_n3A_41, %mul3A_123 : i32
      %mul3A_125 = arith.constant 4000 : i32
      %mul3A_126 = arith.muli %add3A_124, %mul3A_125 : i32
      %add3A_127 = arith.addi %mul3A_121, %mul3A_126 : i32
      %dma_wait3A = tpu.memref_slice %arg4[%mul3A_99] : memref<8000xi32, #tpu.memory_space<vmem>> -> memref<4000xi32, #tpu.memory_space<vmem>>
      %dma_wait3A_128 = tpu.memref_slice %arg2[%add3A_127] : memref<800000xi32, #tpu.memory_space<hbm>> -> memref<4000xi32, #tpu.memory_space<hbm>>
      %dma_wait3A_129 = tpu.memref_slice %arg4[%mul3A_99] : memref<8000xi32, #tpu.memory_space<vmem>> -> memref<4000xi32, #tpu.memory_space<vmem>>
      %dma_wait3A_130 = tpu.memref_slice %arg2[%add3A_127] : memref<800000xi32, #tpu.memory_space<hbm>> -> memref<4000xi32, #tpu.memory_space<hbm>>
      tpu.wait_dma2 semaphore(%arg8 : memref<!tpu.dma_semaphore, #tpu.memory_space<semaphore_mem>>) src(%dma_wait3A_130 : memref<4000xi32, #tpu.memory_space<hbm>>) dst(%dma_wait3A_129 : memref<4000xi32, #tpu.memory_space<vmem>>)
      %add3A_131 = arith.constant 1 : i32
      %add3A_132 = arith.addi %while3A_81, %add3A_131 : i32
      %lt3A_133 = arith.cmpi slt, %add3A_132, %select_n3A_46 : i32
      %convert_element_type3A_134 = arith.extui %lt3A_133 : i1 to i32
      %cond3A_135 = arith.constant 0 : i32
      %cond3A_136 = arith.cmpi ne, %convert_element_type3A_134, %cond3A_135 : i32
      scf.if %cond3A_136 {
        %add3A_143 = arith.constant 1 : i32
        %add3A_144 = arith.addi %while3A_81, %add3A_143 : i32
        %mul3A_145 = arith.constant 100000 : i32
        %mul3A_146 = arith.muli %add3A, %mul3A_145 : i32
        %mul3A_147 = arith.constant 4 : i32
        %mul3A_148 = arith.muli %add3A_144, %mul3A_147 : i32
        %add3A_149 = arith.addi %select_n3A_41, %mul3A_148 : i32
        %mul3A_150 = arith.constant 4000 : i32
        %mul3A_151 = arith.muli %add3A_149, %mul3A_150 : i32
        %add3A_152 = arith.addi %mul3A_146, %mul3A_151 : i32
        %dma_start3A_153 = tpu.memref_slice %arg4[%mul3A_119] : memref<8000xi32, #tpu.memory_space<vmem>> -> memref<4000xi32, #tpu.memory_space<vmem>>
        %dma_start3A_154 = tpu.memref_slice %arg2[%add3A_152] : memref<800000xi32, #tpu.memory_space<hbm>> -> memref<4000xi32, #tpu.memory_space<hbm>>
        %dma_start3A_155 = tpu.memref_slice %arg4[%mul3A_119] : memref<8000xi32, #tpu.memory_space<vmem>> -> memref<4000xi32, #tpu.memory_space<vmem>>
        %dma_start3A_156 = tpu.memref_slice %arg2[%add3A_152] : memref<800000xi32, #tpu.memory_space<hbm>> -> memref<4000xi32, #tpu.memory_space<hbm>>
        tpu.enqueue_dma source(%dma_start3A_156 : memref<4000xi32, #tpu.memory_space<hbm>>) target(%dma_start3A_155 : memref<4000xi32, #tpu.memory_space<vmem>>) target_semaphore(%arg8 : memref<!tpu.dma_semaphore, #tpu.memory_space<semaphore_mem>>)
      } else {
      }
      %scan3A_137 = arith.constant 0 : i32
      %scan3A_138 = arith.constant 0 : i32
      %scan3A_139 = arith.constant 25 : i32
      %scan3A_140 = arith.addi %scan3A_138, %scan3A_139 : i32
      %scan3A_141 = arith.constant 1 : i32
      scf.for %scan3A_143 = %scan3A_138 to %scan3A_140 step %scan3A_141  : i32 {
        %mul3A_144 = arith.constant 160 : i32
        %mul3A_145 = arith.muli %scan3A_143, %mul3A_144 : i32
        %add3A_146 = arith.addi %mul3A_99, %mul3A_145 : i32
        %add3A_147 = arith.constant 0 : i32
        %add3A_148 = arith.addi %add3A_146, %add3A_147 : i32
        %get3A = arith.index_cast %add3A_148 : i32 to index
        %get3A_149 = tpu.vector_load %arg4[%get3A] {strides = array<i32>} : memref<8000xi32, #tpu.memory_space<vmem>>, vector<16xi32>,
        %add3A_150 = arith.constant 16 : i32
        %add3A_151 = arith.addi %add3A_146, %add3A_150 : i32
        %get3A_152 = arith.index_cast %add3A_151 : i32 to index
        %get3A_153 = tpu.vector_load %arg4[%get3A_152] {strides = array<i32>} : memref<8000xi32, #tpu.memory_space<vmem>>, vector<16xi32>,
        %add3A_154 = arith.constant 32 : i32
        %add3A_155 = arith.addi %add3A_146, %add3A_154 : i32
        %get3A_156 = arith.index_cast %add3A_155 : i32 to index
        %get3A_157 = tpu.vector_load %arg4[%get3A_156] {strides = array<i32>} : memref<8000xi32, #tpu.memory_space<vmem>>, vector<16xi32>,
        %add3A_158 = arith.constant 48 : i32
        %add3A_159 = arith.addi %add3A_146, %add3A_158 : i32
        %get3A_160 = arith.index_cast %add3A_159 : i32 to index
        %get3A_161 = tpu.vector_load %arg4[%get3A_160] {strides = array<i32>} : memref<8000xi32, #tpu.memory_space<vmem>>, vector<16xi32>,
        %add3A_162 = arith.constant 64 : i32
        %add3A_163 = arith.addi %add3A_146, %add3A_162 : i32
        %get3A_164 = arith.index_cast %add3A_163 : i32 to index
        %get3A_165 = tpu.vector_load %arg4[%get3A_164] {strides = array<i32>} : memref<8000xi32, #tpu.memory_space<vmem>>, vector<16xi32>,
        %add3A_166 = arith.constant 80 : i32
        %add3A_167 = arith.addi %add3A_146, %add3A_166 : i32
        %get3A_168 = arith.index_cast %add3A_167 : i32 to index
        %get3A_169 = tpu.vector_load %arg4[%get3A_168] {strides = array<i32>} : memref<8000xi32, #tpu.memory_space<vmem>>, vector<16xi32>,
        %add3A_170 = arith.constant 96 : i32
        %add3A_171 = arith.addi %add3A_146, %add3A_170 : i32
        %get3A_172 = arith.index_cast %add3A_171 : i32 to index
        %get3A_173 = tpu.vector_load %arg4[%get3A_172] {strides = array<i32>} : memref<8000xi32, #tpu.memory_space<vmem>>, vector<16xi32>,
        %add3A_174 = arith.constant 112 : i32
        %add3A_175 = arith.addi %add3A_146, %add3A_174 : i32
        %get3A_176 = arith.index_cast %add3A_175 : i32 to index
        %get3A_177 = tpu.vector_load %arg4[%get3A_176] {strides = array<i32>} : memref<8000xi32, #tpu.memory_space<vmem>>, vector<16xi32>,
        %add3A_178 = arith.constant 128 : i32
        %add3A_179 = arith.addi %add3A_146, %add3A_178 : i32
        %get3A_180 = arith.index_cast %add3A_179 : i32 to index
        %get3A_181 = tpu.vector_load %arg4[%get3A_180] {strides = array<i32>} : memref<8000xi32, #tpu.memory_space<vmem>>, vector<16xi32>,
        %add3A_182 = arith.constant 144 : i32
        %add3A_183 = arith.addi %add3A_146, %add3A_182 : i32
        %get3A_184 = arith.index_cast %add3A_183 : i32 to index
        %get3A_185 = tpu.vector_load %arg4[%get3A_184] {strides = array<i32>} : memref<8000xi32, #tpu.memory_space<vmem>>, vector<16xi32>,
        tpu.vector_store_idx %arg5[%get3A_149], %broadcast_in_dim3A_31 : memref<4096xf32, #tpu.memory_space<vmem>>[vector<16xi32>], vector<16xf32>,
        tpu.vector_store_idx %arg5[%get3A_153], %broadcast_in_dim3A_31 : memref<4096xf32, #tpu.memory_space<vmem>>[vector<16xi32>], vector<16xf32>,
        tpu.vector_store_idx %arg5[%get3A_157], %broadcast_in_dim3A_31 : memref<4096xf32, #tpu.memory_space<vmem>>[vector<16xi32>], vector<16xf32>,
        tpu.vector_store_idx %arg5[%get3A_161], %broadcast_in_dim3A_31 : memref<4096xf32, #tpu.memory_space<vmem>>[vector<16xi32>], vector<16xf32>,
        tpu.vector_store_idx %arg5[%get3A_165], %broadcast_in_dim3A_31 : memref<4096xf32, #tpu.memory_space<vmem>>[vector<16xi32>], vector<16xf32>,
        tpu.vector_store_idx %arg5[%get3A_169], %broadcast_in_dim3A_31 : memref<4096xf32, #tpu.memory_space<vmem>>[vector<16xi32>], vector<16xf32>,
        tpu.vector_store_idx %arg5[%get3A_173], %broadcast_in_dim3A_31 : memref<4096xf32, #tpu.memory_space<vmem>>[vector<16xi32>], vector<16xf32>,
        tpu.vector_store_idx %arg5[%get3A_177], %broadcast_in_dim3A_31 : memref<4096xf32, #tpu.memory_space<vmem>>[vector<16xi32>], vector<16xf32>,
        tpu.vector_store_idx %arg5[%get3A_181], %broadcast_in_dim3A_31 : memref<4096xf32, #tpu.memory_space<vmem>>[vector<16xi32>], vector<16xf32>,
        tpu.vector_store_idx %arg5[%get3A_185], %broadcast_in_dim3A_31 : memref<4096xf32, #tpu.memory_space<vmem>>[vector<16xi32>], vector<16xf32>,
      }
      %scan3A_142 = arith.constant 25 : i32
    }
    %while3A_72 = arith.constant 1 : i32
    scf.for %while3A_81 = %while3A_70 to %while3A_66 step %while3A_72  : i32 {
      %jit3A_82 = arith.constant 2 : i32
      %eq3A_83 = arith.constant 0 : i32
      %eq3A_84 = arith.cmpi eq, %jit3A_82, %eq3A_83 : i32
      %jit3A_85 = arith.constant 1 : i32
      %select_n3A_86 = arith.select %eq3A_84, %jit3A_85, %jit3A_82 : i32
      %rem3A_87 = arith.remsi %while3A_81, %select_n3A_86 : i32
      %ne3A_88 = arith.constant 0 : i32
      %ne3A_89 = arith.cmpi ne, %rem3A_87, %ne3A_88 : i32
      %lt3A_90 = arith.constant 0 : i32
      %lt3A_91 = arith.cmpi slt, %rem3A_87, %lt3A_90 : i32
      %lt3A_92 = arith.constant 0 : i32
      %lt3A_93 = arith.cmpi slt, %select_n3A_86, %lt3A_92 : i32
      %ne3A_94 = arith.xori %lt3A_91, %lt3A_93 : i1
      %and3A_95 = arith.andi %ne3A_94, %ne3A_89 : i1
      %add3A_96 = arith.addi %rem3A_87, %select_n3A_86 : i32
      %select_n3A_97 = arith.select %and3A_95, %add3A_96, %rem3A_87 : i32
      %mul3A_98 = arith.constant 4000 : i32
      %mul3A_99 = arith.muli %select_n3A_97, %mul3A_98 : i32
      %add3A_100 = arith.constant 1 : i32
      %add3A_101 = arith.addi %while3A_81, %add3A_100 : i32
      %jit3A_102 = arith.constant 2 : i32
      %eq3A_103 = arith.constant 0 : i32
      %eq3A_104 = arith.cmpi eq, %jit3A_102, %eq3A_103 : i32
      %jit3A_105 = arith.constant 1 : i32
      %select_n3A_106 = arith.select %eq3A_104, %jit3A_105, %jit3A_102 : i32
      %rem3A_107 = arith.remsi %add3A_101, %select_n3A_106 : i32
      %ne3A_108 = arith.constant 0 : i32
      %ne3A_109 = arith.cmpi ne, %rem3A_107, %ne3A_108 : i32
      %lt3A_110 = arith.constant 0 : i32
      %lt3A_111 = arith.cmpi slt, %rem3A_107, %lt3A_110 : i32
      %lt3A_112 = arith.constant 0 : i32
      %lt3A_113 = arith.cmpi slt, %select_n3A_106, %lt3A_112 : i32
      %ne3A_114 = arith.xori %lt3A_111, %lt3A_113 : i1
      %and3A_115 = arith.andi %ne3A_114, %ne3A_109 : i1
      %add3A_116 = arith.addi %rem3A_107, %select_n3A_106 : i32
      %select_n3A_117 = arith.select %and3A_115, %add3A_116, %rem3A_107 : i32
      %mul3A_118 = arith.constant 4000 : i32
      %mul3A_119 = arith.muli %select_n3A_117, %mul3A_118 : i32
      %mul3A_120 = arith.constant 100000 : i32
      %mul3A_121 = arith.muli %add3A, %mul3A_120 : i32
      %mul3A_122 = arith.constant 4 : i32
      %mul3A_123 = arith.muli %while3A_81, %mul3A_122 : i32
      %add3A_124 = arith.addi %select_n3A_41, %mul3A_123 : i32
      %mul3A_125 = arith.constant 4000 : i32
      %mul3A_126 = arith.muli %add3A_124, %mul3A_125 : i32
      %add3A_127 = arith.addi %mul3A_121, %mul3A_126 : i32
      %dma_wait3A = tpu.memref_slice %arg4[%mul3A_99] : memref<8000xi32, #tpu.memory_space<vmem>> -> memref<4000xi32, #tpu.memory_space<vmem>>
      %dma_wait3A_128 = tpu.memref_slice %arg2[%add3A_127] : memref<800000xi32, #tpu.memory_space<hbm>> -> memref<4000xi32, #tpu.memory_space<hbm>>
      %dma_wait3A_129 = tpu.memref_slice %arg4[%mul3A_99] : memref<8000xi32, #tpu.memory_space<vmem>> -> memref<4000xi32, #tpu.memory_space<vmem>>
      %dma_wait3A_130 = tpu.memref_slice %arg2[%add3A_127] : memref<800000xi32, #tpu.memory_space<hbm>> -> memref<4000xi32, #tpu.memory_space<hbm>>
      tpu.wait_dma2 semaphore(%arg8 : memref<!tpu.dma_semaphore, #tpu.memory_space<semaphore_mem>>) src(%dma_wait3A_130 : memref<4000xi32, #tpu.memory_space<hbm>>) dst(%dma_wait3A_129 : memref<4000xi32, #tpu.memory_space<vmem>>)
      %add3A_131 = arith.constant 1 : i32
      %add3A_132 = arith.addi %while3A_81, %add3A_131 : i32
      %lt3A_133 = arith.cmpi slt, %add3A_132, %select_n3A_46 : i32
      %convert_element_type3A_134 = arith.extui %lt3A_133 : i1 to i32
      %cond3A_135 = arith.constant 0 : i32
      %cond3A_136 = arith.cmpi ne, %convert_element_type3A_134, %cond3A_135 : i32
      scf.if %cond3A_136 {
        %add3A_143 = arith.constant 1 : i32
        %add3A_144 = arith.addi %while3A_81, %add3A_143 : i32
        %mul3A_145 = arith.constant 100000 : i32
        %mul3A_146 = arith.muli %add3A, %mul3A_145 : i32
        %mul3A_147 = arith.constant 4 : i32
        %mul3A_148 = arith.muli %add3A_144, %mul3A_147 : i32
        %add3A_149 = arith.addi %select_n3A_41, %mul3A_148 : i32
        %mul3A_150 = arith.constant 4000 : i32
        %mul3A_151 = arith.muli %add3A_149, %mul3A_150 : i32
        %add3A_152 = arith.addi %mul3A_146, %mul3A_151 : i32
        %dma_start3A_153 = tpu.memref_slice %arg4[%mul3A_119] : memref<8000xi32, #tpu.memory_space<vmem>> -> memref<4000xi32, #tpu.memory_space<vmem>>
        %dma_start3A_154 = tpu.memref_slice %arg2[%add3A_152] : memref<800000xi32, #tpu.memory_space<hbm>> -> memref<4000xi32, #tpu.memory_space<hbm>>
        %dma_start3A_155 = tpu.memref_slice %arg4[%mul3A_119] : memref<8000xi32, #tpu.memory_space<vmem>> -> memref<4000xi32, #tpu.memory_space<vmem>>
        %dma_start3A_156 = tpu.memref_slice %arg2[%add3A_152] : memref<800000xi32, #tpu.memory_space<hbm>> -> memref<4000xi32, #tpu.memory_space<hbm>>
        tpu.enqueue_dma source(%dma_start3A_156 : memref<4000xi32, #tpu.memory_space<hbm>>) target(%dma_start3A_155 : memref<4000xi32, #tpu.memory_space<vmem>>) target_semaphore(%arg8 : memref<!tpu.dma_semaphore, #tpu.memory_space<semaphore_mem>>)
      } else {
      }
      %scan3A_137 = arith.constant 0 : i32
      %scan3A_138 = arith.constant 0 : i32
      %scan3A_139 = arith.constant 25 : i32
      %scan3A_140 = arith.addi %scan3A_138, %scan3A_139 : i32
      %scan3A_141 = arith.constant 1 : i32
      scf.for %scan3A_143 = %scan3A_138 to %scan3A_140 step %scan3A_141  : i32 {
        %mul3A_144 = arith.constant 160 : i32
        %mul3A_145 = arith.muli %scan3A_143, %mul3A_144 : i32
        %add3A_146 = arith.addi %mul3A_99, %mul3A_145 : i32
        %add3A_147 = arith.constant 0 : i32
        %add3A_148 = arith.addi %add3A_146, %add3A_147 : i32
        %get3A = arith.index_cast %add3A_148 : i32 to index
        %get3A_149 = tpu.vector_load %arg4[%get3A] {strides = array<i32>} : memref<8000xi32, #tpu.memory_space<vmem>>, vector<16xi32>,
        %add3A_150 = arith.constant 16 : i32
        %add3A_151 = arith.addi %add3A_146, %add3A_150 : i32
        %get3A_152 = arith.index_cast %add3A_151 : i32 to index
        %get3A_153 = tpu.vector_load %arg4[%get3A_152] {strides = array<i32>} : memref<8000xi32, #tpu.memory_space<vmem>>, vector<16xi32>,
        %add3A_154 = arith.constant 32 : i32
        %add3A_155 = arith.addi %add3A_146, %add3A_154 : i32
        %get3A_156 = arith.index_cast %add3A_155 : i32 to index
        %get3A_157 = tpu.vector_load %arg4[%get3A_156] {strides = array<i32>} : memref<8000xi32, #tpu.memory_space<vmem>>, vector<16xi32>,
        %add3A_158 = arith.constant 48 : i32
        %add3A_159 = arith.addi %add3A_146, %add3A_158 : i32
        %get3A_160 = arith.index_cast %add3A_159 : i32 to index
        %get3A_161 = tpu.vector_load %arg4[%get3A_160] {strides = array<i32>} : memref<8000xi32, #tpu.memory_space<vmem>>, vector<16xi32>,
        %add3A_162 = arith.constant 64 : i32
        %add3A_163 = arith.addi %add3A_146, %add3A_162 : i32
        %get3A_164 = arith.index_cast %add3A_163 : i32 to index
        %get3A_165 = tpu.vector_load %arg4[%get3A_164] {strides = array<i32>} : memref<8000xi32, #tpu.memory_space<vmem>>, vector<16xi32>,
        %add3A_166 = arith.constant 80 : i32
        %add3A_167 = arith.addi %add3A_146, %add3A_166 : i32
        %get3A_168 = arith.index_cast %add3A_167 : i32 to index
        %get3A_169 = tpu.vector_load %arg4[%get3A_168] {strides = array<i32>} : memref<8000xi32, #tpu.memory_space<vmem>>, vector<16xi32>,
        %add3A_170 = arith.constant 96 : i32
        %add3A_171 = arith.addi %add3A_146, %add3A_170 : i32
        %get3A_172 = arith.index_cast %add3A_171 : i32 to index
        %get3A_173 = tpu.vector_load %arg4[%get3A_172] {strides = array<i32>} : memref<8000xi32, #tpu.memory_space<vmem>>, vector<16xi32>,
        %add3A_174 = arith.constant 112 : i32
        %add3A_175 = arith.addi %add3A_146, %add3A_174 : i32
        %get3A_176 = arith.index_cast %add3A_175 : i32 to index
        %get3A_177 = tpu.vector_load %arg4[%get3A_176] {strides = array<i32>} : memref<8000xi32, #tpu.memory_space<vmem>>, vector<16xi32>,
        %add3A_178 = arith.constant 128 : i32
        %add3A_179 = arith.addi %add3A_146, %add3A_178 : i32
        %get3A_180 = arith.index_cast %add3A_179 : i32 to index
        %get3A_181 = tpu.vector_load %arg4[%get3A_180] {strides = array<i32>} : memref<8000xi32, #tpu.memory_space<vmem>>, vector<16xi32>,
        %add3A_182 = arith.constant 144 : i32
        %add3A_183 = arith.addi %add3A_146, %add3A_182 : i32
        %get3A_184 = arith.index_cast %add3A_183 : i32 to index
        %get3A_185 = tpu.vector_load %arg4[%get3A_184] {strides = array<i32>} : memref<8000xi32, #tpu.memory_space<vmem>>, vector<16xi32>,
        tpu.vector_store_idx %arg5[%get3A_149], %broadcast_in_dim3A_31 : memref<4096xf32, #tpu.memory_space<vmem>>[vector<16xi32>], vector<16xf32>,
        tpu.vector_store_idx %arg5[%get3A_153], %broadcast_in_dim3A_31 : memref<4096xf32, #tpu.memory_space<vmem>>[vector<16xi32>], vector<16xf32>,
        tpu.vector_store_idx %arg5[%get3A_157], %broadcast_in_dim3A_31 : memref<4096xf32, #tpu.memory_space<vmem>>[vector<16xi32>], vector<16xf32>,
        tpu.vector_store_idx %arg5[%get3A_161], %broadcast_in_dim3A_31 : memref<4096xf32, #tpu.memory_space<vmem>>[vector<16xi32>], vector<16xf32>,
        tpu.vector_store_idx %arg5[%get3A_165], %broadcast_in_dim3A_31 : memref<4096xf32, #tpu.memory_space<vmem>>[vector<16xi32>], vector<16xf32>,
        tpu.vector_store_idx %arg5[%get3A_169], %broadcast_in_dim3A_31 : memref<4096xf32, #tpu.memory_space<vmem>>[vector<16xi32>], vector<16xf32>,
        tpu.vector_store_idx %arg5[%get3A_173], %broadcast_in_dim3A_31 : memref<4096xf32, #tpu.memory_space<vmem>>[vector<16xi32>], vector<16xf32>,
        tpu.vector_store_idx %arg5[%get3A_177], %broadcast_in_dim3A_31 : memref<4096xf32, #tpu.memory_space<vmem>>[vector<16xi32>], vector<16xf32>,
        tpu.vector_store_idx %arg5[%get3A_181], %broadcast_in_dim3A_31 : memref<4096xf32, #tpu.memory_space<vmem>>[vector<16xi32>], vector<16xf32>,
        tpu.vector_store_idx %arg5[%get3A_185], %broadcast_in_dim3A_31 : memref<4096xf32, #tpu.memory_space<vmem>>[vector<16xi32>], vector<16xf32>,
      }
      %scan3A_142 = arith.constant 25 : i32
    }
    %ne3A_73 = arith.constant 0 : i32
    %ne3A_74 = arith.cmpi ne, %select_n3A_30, %ne3A_73 : i32
    %convert_element_type3A = arith.extui %ne3A_74 : i1 to i32
    %cond3A = arith.constant 0 : i32
    %cond3A_75 = arith.cmpi ne, %convert_element_type3A, %cond3A : i32
    scf.if %cond3A_75 {
      "tpu.region"() ({
        %run_scoped3A = tpu.sem_alloc : memref<!tpu.dma_semaphore, #tpu.memory_space<semaphore_mem>>
        %dma_start3A_81 = arith.constant 0 : i32
        %dma_start3A_82 = tpu.memref_slice %arg7[%arg1, %dma_start3A_81] : memref<16x4096xf32, #tpu.memory_space<vmem_shared>> -> memref<1x4096xf32, #tpu.memory_space<vmem_shared>>
        %dma_start3A_83 = tpu.memref_squeeze %dma_start3A_82 : memref<1x4096xf32, #tpu.memory_space<vmem_shared>> -> memref<4096xf32, #tpu.memory_space<vmem_shared>>
        %dma_start3A_84 = arith.constant 0 : i32
        %dma_start3A_85 = tpu.memref_slice %arg7[%arg1, %dma_start3A_84] : memref<16x4096xf32, #tpu.memory_space<vmem_shared>> -> memref<1x4096xf32, #tpu.memory_space<vmem_shared>>
        %dma_start3A_86 = tpu.memref_squeeze %dma_start3A_85 : memref<1x4096xf32, #tpu.memory_space<vmem_shared>> -> memref<4096xf32, #tpu.memory_space<vmem_shared>>
        tpu.enqueue_dma source(%arg5 : memref<4096xf32, #tpu.memory_space<vmem>>) target(%dma_start3A_86 : memref<4096xf32, #tpu.memory_space<vmem_shared>>) target_semaphore(%run_scoped3A : memref<!tpu.dma_semaphore, #tpu.memory_space<semaphore_mem>>)
        %dma_wait3A = arith.constant 0 : i32
        %dma_wait3A_87 = tpu.memref_slice %arg7[%arg1, %dma_wait3A] : memref<16x4096xf32, #tpu.memory_space<vmem_shared>> -> memref<1x4096xf32, #tpu.memory_space<vmem_shared>>
        %dma_wait3A_88 = tpu.memref_squeeze %dma_wait3A_87 : memref<1x4096xf32, #tpu.memory_space<vmem_shared>> -> memref<4096xf32, #tpu.memory_space<vmem_shared>>
        %dma_wait3A_89 = arith.constant 0 : i32
        %dma_wait3A_90 = tpu.memref_slice %arg7[%arg1, %dma_wait3A_89] : memref<16x4096xf32, #tpu.memory_space<vmem_shared>> -> memref<1x4096xf32, #tpu.memory_space<vmem_shared>>
        %dma_wait3A_91 = tpu.memref_squeeze %dma_wait3A_90 : memref<1x4096xf32, #tpu.memory_space<vmem_shared>> -> memref<4096xf32, #tpu.memory_space<vmem_shared>>
        tpu.wait_dma2 semaphore(%run_scoped3A : memref<!tpu.dma_semaphore, #tpu.memory_space<semaphore_mem>>) src(%arg5 : memref<4096xf32, #tpu.memory_space<vmem>>) dst(%dma_wait3A_91 : memref<4096xf32, #tpu.memory_space<vmem_shared>>)
        tpu.yield
      }) : () -> ()
    } else {
    }
    %barrier3A = arith.constant 0 : index
    tpu.barrier barrier_id(%barrier3A)
    %eq3A_76 = arith.constant 0 : i32
    %eq3A_77 = arith.cmpi eq, %select_n3A_30, %eq3A_76 : i32
    %convert_element_type3A_78 = arith.extui %eq3A_77 : i1 to i32
    %cond3A_79 = arith.constant 0 : i32
    %cond3A_80 = arith.cmpi ne, %convert_element_type3A_78, %cond3A_79 : i32
    scf.if %cond3A_80 {
      %add3A_81 = arith.constant 1 : i32
      %add3A_82 = arith.addi %arg1, %add3A_81 : i32
      "tpu.region"() ({
        %run_scoped3A = tpu.sem_alloc : memref<!tpu.dma_semaphore, #tpu.memory_space<semaphore_mem>>
        %dma_start3A_108 = arith.constant 0 : i32
        %dma_start3A_109 = tpu.memref_slice %arg6[%dma_start3A_108] : memref<12288xf32, #tpu.memory_space<vmem>> -> memref<4096xf32, #tpu.memory_space<vmem>>
        %dma_start3A_110 = arith.constant 0 : i32
        %dma_start3A_111 = tpu.memref_slice %arg7[%add3A_82, %dma_start3A_110] : memref<16x4096xf32, #tpu.memory_space<vmem_shared>> -> memref<1x4096xf32, #tpu.memory_space<vmem_shared>>
        %dma_start3A_112 = tpu.memref_squeeze %dma_start3A_111 : memref<1x4096xf32, #tpu.memory_space<vmem_shared>> -> memref<4096xf32, #tpu.memory_space<vmem_shared>>
        %dma_start3A_113 = arith.constant 0 : i32
        %dma_start3A_114 = tpu.memref_slice %arg6[%dma_start3A_113] : memref<12288xf32, #tpu.memory_space<vmem>> -> memref<4096xf32, #tpu.memory_space<vmem>>
        %dma_start3A_115 = arith.constant 0 : i32
        %dma_start3A_116 = tpu.memref_slice %arg7[%add3A_82, %dma_start3A_115] : memref<16x4096xf32, #tpu.memory_space<vmem_shared>> -> memref<1x4096xf32, #tpu.memory_space<vmem_shared>>
        %dma_start3A_117 = tpu.memref_squeeze %dma_start3A_116 : memref<1x4096xf32, #tpu.memory_space<vmem_shared>> -> memref<4096xf32, #tpu.memory_space<vmem_shared>>
        tpu.enqueue_dma source(%dma_start3A_117 : memref<4096xf32, #tpu.memory_space<vmem_shared>>) target(%dma_start3A_114 : memref<4096xf32, #tpu.memory_space<vmem>>) target_semaphore(%run_scoped3A : memref<!tpu.dma_semaphore, #tpu.memory_space<semaphore_mem>>)
        %dma_wait3A = arith.constant 0 : i32
        %dma_wait3A_118 = tpu.memref_slice %arg6[%dma_wait3A] : memref<12288xf32, #tpu.memory_space<vmem>> -> memref<4096xf32, #tpu.memory_space<vmem>>
        %dma_wait3A_119 = arith.constant 0 : i32
        %dma_wait3A_120 = tpu.memref_slice %arg7[%add3A_82, %dma_wait3A_119] : memref<16x4096xf32, #tpu.memory_space<vmem_shared>> -> memref<1x4096xf32, #tpu.memory_space<vmem_shared>>
        %dma_wait3A_121 = tpu.memref_squeeze %dma_wait3A_120 : memref<1x4096xf32, #tpu.memory_space<vmem_shared>> -> memref<4096xf32, #tpu.memory_space<vmem_shared>>
        %dma_wait3A_122 = arith.constant 0 : i32
        %dma_wait3A_123 = tpu.memref_slice %arg6[%dma_wait3A_122] : memref<12288xf32, #tpu.memory_space<vmem>> -> memref<4096xf32, #tpu.memory_space<vmem>>
        %dma_wait3A_124 = arith.constant 0 : i32
        %dma_wait3A_125 = tpu.memref_slice %arg7[%add3A_82, %dma_wait3A_124] : memref<16x4096xf32, #tpu.memory_space<vmem_shared>> -> memref<1x4096xf32, #tpu.memory_space<vmem_shared>>
        %dma_wait3A_126 = tpu.memref_squeeze %dma_wait3A_125 : memref<1x4096xf32, #tpu.memory_space<vmem_shared>> -> memref<4096xf32, #tpu.memory_space<vmem_shared>>
        tpu.wait_dma2 semaphore(%run_scoped3A : memref<!tpu.dma_semaphore, #tpu.memory_space<semaphore_mem>>) src(%dma_wait3A_126 : memref<4096xf32, #tpu.memory_space<vmem_shared>>) dst(%dma_wait3A_123 : memref<4096xf32, #tpu.memory_space<vmem>>)
        tpu.yield
      }) : () -> ()
      %add3A_83 = arith.constant 2 : i32
      %add3A_84 = arith.addi %arg1, %add3A_83 : i32
      "tpu.region"() ({
        %run_scoped3A = tpu.sem_alloc : memref<!tpu.dma_semaphore, #tpu.memory_space<semaphore_mem>>
        %dma_start3A_108 = arith.constant 4096 : i32
        %dma_start3A_109 = tpu.memref_slice %arg6[%dma_start3A_108] : memref<12288xf32, #tpu.memory_space<vmem>> -> memref<4096xf32, #tpu.memory_space<vmem>>
        %dma_start3A_110 = arith.constant 0 : i32
        %dma_start3A_111 = tpu.memref_slice %arg7[%add3A_84, %dma_start3A_110] : memref<16x4096xf32, #tpu.memory_space<vmem_shared>> -> memref<1x4096xf32, #tpu.memory_space<vmem_shared>>
        %dma_start3A_112 = tpu.memref_squeeze %dma_start3A_111 : memref<1x4096xf32, #tpu.memory_space<vmem_shared>> -> memref<4096xf32, #tpu.memory_space<vmem_shared>>
        %dma_start3A_113 = arith.constant 4096 : i32
        %dma_start3A_114 = tpu.memref_slice %arg6[%dma_start3A_113] : memref<12288xf32, #tpu.memory_space<vmem>> -> memref<4096xf32, #tpu.memory_space<vmem>>
        %dma_start3A_115 = arith.constant 0 : i32
        %dma_start3A_116 = tpu.memref_slice %arg7[%add3A_84, %dma_start3A_115] : memref<16x4096xf32, #tpu.memory_space<vmem_shared>> -> memref<1x4096xf32, #tpu.memory_space<vmem_shared>>
        %dma_start3A_117 = tpu.memref_squeeze %dma_start3A_116 : memref<1x4096xf32, #tpu.memory_space<vmem_shared>> -> memref<4096xf32, #tpu.memory_space<vmem_shared>>
        tpu.enqueue_dma source(%dma_start3A_117 : memref<4096xf32, #tpu.memory_space<vmem_shared>>) target(%dma_start3A_114 : memref<4096xf32, #tpu.memory_space<vmem>>) target_semaphore(%run_scoped3A : memref<!tpu.dma_semaphore, #tpu.memory_space<semaphore_mem>>)
        %dma_wait3A = arith.constant 4096 : i32
        %dma_wait3A_118 = tpu.memref_slice %arg6[%dma_wait3A] : memref<12288xf32, #tpu.memory_space<vmem>> -> memref<4096xf32, #tpu.memory_space<vmem>>
        %dma_wait3A_119 = arith.constant 0 : i32
        %dma_wait3A_120 = tpu.memref_slice %arg7[%add3A_84, %dma_wait3A_119] : memref<16x4096xf32, #tpu.memory_space<vmem_shared>> -> memref<1x4096xf32, #tpu.memory_space<vmem_shared>>
        %dma_wait3A_121 = tpu.memref_squeeze %dma_wait3A_120 : memref<1x4096xf32, #tpu.memory_space<vmem_shared>> -> memref<4096xf32, #tpu.memory_space<vmem_shared>>
        %dma_wait3A_122 = arith.constant 4096 : i32
        %dma_wait3A_123 = tpu.memref_slice %arg6[%dma_wait3A_122] : memref<12288xf32, #tpu.memory_space<vmem>> -> memref<4096xf32, #tpu.memory_space<vmem>>
        %dma_wait3A_124 = arith.constant 0 : i32
        %dma_wait3A_125 = tpu.memref_slice %arg7[%add3A_84, %dma_wait3A_124] : memref<16x4096xf32, #tpu.memory_space<vmem_shared>> -> memref<1x4096xf32, #tpu.memory_space<vmem_shared>>
        %dma_wait3A_126 = tpu.memref_squeeze %dma_wait3A_125 : memref<1x4096xf32, #tpu.memory_space<vmem_shared>> -> memref<4096xf32, #tpu.memory_space<vmem_shared>>
        tpu.wait_dma2 semaphore(%run_scoped3A : memref<!tpu.dma_semaphore, #tpu.memory_space<semaphore_mem>>) src(%dma_wait3A_126 : memref<4096xf32, #tpu.memory_space<vmem_shared>>) dst(%dma_wait3A_123 : memref<4096xf32, #tpu.memory_space<vmem>>)
        tpu.yield
      }) : () -> ()
      %add3A_85 = arith.constant 3 : i32
      %add3A_86 = arith.addi %arg1, %add3A_85 : i32
      "tpu.region"() ({
        %run_scoped3A = tpu.sem_alloc : memref<!tpu.dma_semaphore, #tpu.memory_space<semaphore_mem>>
        %dma_start3A_108 = arith.constant 8192 : i32
        %dma_start3A_109 = tpu.memref_slice %arg6[%dma_start3A_108] : memref<12288xf32, #tpu.memory_space<vmem>> -> memref<4096xf32, #tpu.memory_space<vmem>>
        %dma_start3A_110 = arith.constant 0 : i32
        %dma_start3A_111 = tpu.memref_slice %arg7[%add3A_86, %dma_start3A_110] : memref<16x4096xf32, #tpu.memory_space<vmem_shared>> -> memref<1x4096xf32, #tpu.memory_space<vmem_shared>>
        %dma_start3A_112 = tpu.memref_squeeze %dma_start3A_111 : memref<1x4096xf32, #tpu.memory_space<vmem_shared>> -> memref<4096xf32, #tpu.memory_space<vmem_shared>>
        %dma_start3A_113 = arith.constant 8192 : i32
        %dma_start3A_114 = tpu.memref_slice %arg6[%dma_start3A_113] : memref<12288xf32, #tpu.memory_space<vmem>> -> memref<4096xf32, #tpu.memory_space<vmem>>
        %dma_start3A_115 = arith.constant 0 : i32
        %dma_start3A_116 = tpu.memref_slice %arg7[%add3A_86, %dma_start3A_115] : memref<16x4096xf32, #tpu.memory_space<vmem_shared>> -> memref<1x4096xf32, #tpu.memory_space<vmem_shared>>
        %dma_start3A_117 = tpu.memref_squeeze %dma_start3A_116 : memref<1x4096xf32, #tpu.memory_space<vmem_shared>> -> memref<4096xf32, #tpu.memory_space<vmem_shared>>
        tpu.enqueue_dma source(%dma_start3A_117 : memref<4096xf32, #tpu.memory_space<vmem_shared>>) target(%dma_start3A_114 : memref<4096xf32, #tpu.memory_space<vmem>>) target_semaphore(%run_scoped3A : memref<!tpu.dma_semaphore, #tpu.memory_space<semaphore_mem>>)
        %dma_wait3A = arith.constant 8192 : i32
        %dma_wait3A_118 = tpu.memref_slice %arg6[%dma_wait3A] : memref<12288xf32, #tpu.memory_space<vmem>> -> memref<4096xf32, #tpu.memory_space<vmem>>
        %dma_wait3A_119 = arith.constant 0 : i32
        %dma_wait3A_120 = tpu.memref_slice %arg7[%add3A_86, %dma_wait3A_119] : memref<16x4096xf32, #tpu.memory_space<vmem_shared>> -> memref<1x4096xf32, #tpu.memory_space<vmem_shared>>
        %dma_wait3A_121 = tpu.memref_squeeze %dma_wait3A_120 : memref<1x4096xf32, #tpu.memory_space<vmem_shared>> -> memref<4096xf32, #tpu.memory_space<vmem_shared>>
        %dma_wait3A_122 = arith.constant 8192 : i32
        %dma_wait3A_123 = tpu.memref_slice %arg6[%dma_wait3A_122] : memref<12288xf32, #tpu.memory_space<vmem>> -> memref<4096xf32, #tpu.memory_space<vmem>>
        %dma_wait3A_124 = arith.constant 0 : i32
        %dma_wait3A_125 = tpu.memref_slice %arg7[%add3A_86, %dma_wait3A_124] : memref<16x4096xf32, #tpu.memory_space<vmem_shared>> -> memref<1x4096xf32, #tpu.memory_space<vmem_shared>>
        %dma_wait3A_126 = tpu.memref_squeeze %dma_wait3A_125 : memref<1x4096xf32, #tpu.memory_space<vmem_shared>> -> memref<4096xf32, #tpu.memory_space<vmem_shared>>
        tpu.wait_dma2 semaphore(%run_scoped3A : memref<!tpu.dma_semaphore, #tpu.memory_space<semaphore_mem>>) src(%dma_wait3A_126 : memref<4096xf32, #tpu.memory_space<vmem_shared>>) dst(%dma_wait3A_123 : memref<4096xf32, #tpu.memory_space<vmem>>)
        tpu.yield
      }) : () -> ()
      %broadcast_in_dim3A_87 = arith.constant -1 : i32
      %broadcast_in_dim3A_88 = vector.broadcast %broadcast_in_dim3A_87 : i32 to vector<16xi32>
      %scan3A_89 = arith.constant 0 : i32
      %scan3A_90 = arith.constant 64 : i32
      %scan3A_91 = arith.addi %scan3A_89, %scan3A_90 : i32
      %scan3A_92 = arith.constant 1 : i32
      %scan3A_93 = scf.for %scan3A_108 = %scan3A_89 to %scan3A_91 step %scan3A_92 iter_args(%scan3A_109 = %broadcast_in_dim3A_88) -> (vector<16xi32>)  : i32 {
        %mul3A_110 = arith.constant 4 : i32
        %mul3A_111 = arith.muli %scan3A_108, %mul3A_110 : i32
        %add3A_112 = arith.constant 0 : i32
        %add3A_113 = arith.addi %mul3A_111, %add3A_112 : i32
        %mul3A_114 = arith.constant 16 : i32
        %mul3A_115 = arith.muli %add3A_113, %mul3A_114 : i32
        %get3A = arith.index_cast %mul3A_115 : i32 to index
        %get3A_116 = tpu.vector_load %arg5[%get3A] {strides = array<i32>} : memref<4096xf32, #tpu.memory_space<vmem>>, vector<16xf32>,
        %mul3A_117 = arith.constant 16 : i32
        %mul3A_118 = arith.muli %add3A_113, %mul3A_117 : i32
        %add3A_119 = arith.constant 0 : i32
        %add3A_120 = arith.addi %add3A_119, %mul3A_118 : i32
        %get3A_121 = arith.index_cast %add3A_120 : i32 to index
        %get3A_122 = tpu.vector_load %arg6[%get3A_121] {strides = array<i32>} : memref<12288xf32, #tpu.memory_space<vmem>>, vector<16xf32>,
        %max3A = arith.maximumf %get3A_116, %get3A_122 : vector<16xf32>
        %mul3A_123 = arith.constant 16 : i32
        %mul3A_124 = arith.muli %add3A_113, %mul3A_123 : i32
        %add3A_125 = arith.constant 4096 : i32
        %add3A_126 = arith.addi %add3A_125, %mul3A_124 : i32
        %get3A_127 = arith.index_cast %add3A_126 : i32 to index
        %get3A_128 = tpu.vector_load %arg6[%get3A_127] {strides = array<i32>} : memref<12288xf32, #tpu.memory_space<vmem>>, vector<16xf32>,
        %max3A_129 = arith.maximumf %max3A, %get3A_128 : vector<16xf32>
        %mul3A_130 = arith.constant 16 : i32
        %mul3A_131 = arith.muli %add3A_113, %mul3A_130 : i32
        %add3A_132 = arith.constant 8192 : i32
        %add3A_133 = arith.addi %add3A_132, %mul3A_131 : i32
        %get3A_134 = arith.index_cast %add3A_133 : i32 to index
        %get3A_135 = tpu.vector_load %arg6[%get3A_134] {strides = array<i32>} : memref<12288xf32, #tpu.memory_space<vmem>>, vector<16xf32>,
        %max3A_136 = arith.maximumf %max3A_129, %get3A_135 : vector<16xf32>
        %gt3A = arith.constant 0.000000e+00 : f32
        %gt3A_137 = vector.broadcast %gt3A : f32 to vector<16xf32>
        %gt3A_138 = arith.cmpf ogt, %max3A_136, %gt3A_137 : vector<16xf32>
        %mul3A_139 = arith.constant 4 : i32
        %mul3A_140 = arith.muli %scan3A_108, %mul3A_139 : i32
        %add3A_141 = arith.constant 1 : i32
        %add3A_142 = arith.addi %mul3A_140, %add3A_141 : i32
        %mul3A_143 = arith.constant 16 : i32
        %mul3A_144 = arith.muli %add3A_142, %mul3A_143 : i32
        %get3A_145 = arith.index_cast %mul3A_144 : i32 to index
        %get3A_146 = tpu.vector_load %arg5[%get3A_145] {strides = array<i32>} : memref<4096xf32, #tpu.memory_space<vmem>>, vector<16xf32>,
        %mul3A_147 = arith.constant 16 : i32
        %mul3A_148 = arith.muli %add3A_142, %mul3A_147 : i32
        %add3A_149 = arith.constant 0 : i32
        %add3A_150 = arith.addi %add3A_149, %mul3A_148 : i32
        %get3A_151 = arith.index_cast %add3A_150 : i32 to index
        %get3A_152 = tpu.vector_load %arg6[%get3A_151] {strides = array<i32>} : memref<12288xf32, #tpu.memory_space<vmem>>, vector<16xf32>,
        %max3A_153 = arith.maximumf %get3A_146, %get3A_152 : vector<16xf32>
        %mul3A_154 = arith.constant 16 : i32
        %mul3A_155 = arith.muli %add3A_142, %mul3A_154 : i32
        %add3A_156 = arith.constant 4096 : i32
        %add3A_157 = arith.addi %add3A_156, %mul3A_155 : i32
        %get3A_158 = arith.index_cast %add3A_157 : i32 to index
        %get3A_159 = tpu.vector_load %arg6[%get3A_158] {strides = array<i32>} : memref<12288xf32, #tpu.memory_space<vmem>>, vector<16xf32>,
        %max3A_160 = arith.maximumf %max3A_153, %get3A_159 : vector<16xf32>
        %mul3A_161 = arith.constant 16 : i32
        %mul3A_162 = arith.muli %add3A_142, %mul3A_161 : i32
        %add3A_163 = arith.constant 8192 : i32
        %add3A_164 = arith.addi %add3A_163, %mul3A_162 : i32
        %get3A_165 = arith.index_cast %add3A_164 : i32 to index
        %get3A_166 = tpu.vector_load %arg6[%get3A_165] {strides = array<i32>} : memref<12288xf32, #tpu.memory_space<vmem>>, vector<16xf32>,
        %max3A_167 = arith.maximumf %max3A_160, %get3A_166 : vector<16xf32>
        %gt3A_168 = arith.constant 0.000000e+00 : f32
        %gt3A_169 = vector.broadcast %gt3A_168 : f32 to vector<16xf32>
        %gt3A_170 = arith.cmpf ogt, %max3A_167, %gt3A_169 : vector<16xf32>
        %mul3A_171 = arith.constant 4 : i32
        %mul3A_172 = arith.muli %scan3A_108, %mul3A_171 : i32
        %add3A_173 = arith.constant 2 : i32
        %add3A_174 = arith.addi %mul3A_172, %add3A_173 : i32
        %mul3A_175 = arith.constant 16 : i32
        %mul3A_176 = arith.muli %add3A_174, %mul3A_175 : i32
        %get3A_177 = arith.index_cast %mul3A_176 : i32 to index
        %get3A_178 = tpu.vector_load %arg5[%get3A_177] {strides = array<i32>} : memref<4096xf32, #tpu.memory_space<vmem>>, vector<16xf32>,
        %mul3A_179 = arith.constant 16 : i32
        %mul3A_180 = arith.muli %add3A_174, %mul3A_179 : i32
        %add3A_181 = arith.constant 0 : i32
        %add3A_182 = arith.addi %add3A_181, %mul3A_180 : i32
        %get3A_183 = arith.index_cast %add3A_182 : i32 to index
        %get3A_184 = tpu.vector_load %arg6[%get3A_183] {strides = array<i32>} : memref<12288xf32, #tpu.memory_space<vmem>>, vector<16xf32>,
        %max3A_185 = arith.maximumf %get3A_178, %get3A_184 : vector<16xf32>
        %mul3A_186 = arith.constant 16 : i32
        %mul3A_187 = arith.muli %add3A_174, %mul3A_186 : i32
        %add3A_188 = arith.constant 4096 : i32
        %add3A_189 = arith.addi %add3A_188, %mul3A_187 : i32
        %get3A_190 = arith.index_cast %add3A_189 : i32 to index
        %get3A_191 = tpu.vector_load %arg6[%get3A_190] {strides = array<i32>} : memref<12288xf32, #tpu.memory_space<vmem>>, vector<16xf32>,
        %max3A_192 = arith.maximumf %max3A_185, %get3A_191 : vector<16xf32>
        %mul3A_193 = arith.constant 16 : i32
        %mul3A_194 = arith.muli %add3A_174, %mul3A_193 : i32
        %add3A_195 = arith.constant 8192 : i32
        %add3A_196 = arith.addi %add3A_195, %mul3A_194 : i32
        %get3A_197 = arith.index_cast %add3A_196 : i32 to index
        %get3A_198 = tpu.vector_load %arg6[%get3A_197] {strides = array<i32>} : memref<12288xf32, #tpu.memory_space<vmem>>, vector<16xf32>,
        %max3A_199 = arith.maximumf %max3A_192, %get3A_198 : vector<16xf32>
        %gt3A_200 = arith.constant 0.000000e+00 : f32
        %gt3A_201 = vector.broadcast %gt3A_200 : f32 to vector<16xf32>
        %gt3A_202 = arith.cmpf ogt, %max3A_199, %gt3A_201 : vector<16xf32>
        %mul3A_203 = arith.constant 4 : i32
        %mul3A_204 = arith.muli %scan3A_108, %mul3A_203 : i32
        %add3A_205 = arith.constant 3 : i32
        %add3A_206 = arith.addi %mul3A_204, %add3A_205 : i32
        %mul3A_207 = arith.constant 16 : i32
        %mul3A_208 = arith.muli %add3A_206, %mul3A_207 : i32
        %get3A_209 = arith.index_cast %mul3A_208 : i32 to index
        %get3A_210 = tpu.vector_load %arg5[%get3A_209] {strides = array<i32>} : memref<4096xf32, #tpu.memory_space<vmem>>, vector<16xf32>,
        %mul3A_211 = arith.constant 16 : i32
        %mul3A_212 = arith.muli %add3A_206, %mul3A_211 : i32
        %add3A_213 = arith.constant 0 : i32
        %add3A_214 = arith.addi %add3A_213, %mul3A_212 : i32
        %get3A_215 = arith.index_cast %add3A_214 : i32 to index
        %get3A_216 = tpu.vector_load %arg6[%get3A_215] {strides = array<i32>} : memref<12288xf32, #tpu.memory_space<vmem>>, vector<16xf32>,
        %max3A_217 = arith.maximumf %get3A_210, %get3A_216 : vector<16xf32>
        %mul3A_218 = arith.constant 16 : i32
        %mul3A_219 = arith.muli %add3A_206, %mul3A_218 : i32
        %add3A_220 = arith.constant 4096 : i32
        %add3A_221 = arith.addi %add3A_220, %mul3A_219 : i32
        %get3A_222 = arith.index_cast %add3A_221 : i32 to index
        %get3A_223 = tpu.vector_load %arg6[%get3A_222] {strides = array<i32>} : memref<12288xf32, #tpu.memory_space<vmem>>, vector<16xf32>,
        %max3A_224 = arith.maximumf %max3A_217, %get3A_223 : vector<16xf32>
        %mul3A_225 = arith.constant 16 : i32
        %mul3A_226 = arith.muli %add3A_206, %mul3A_225 : i32
        %add3A_227 = arith.constant 8192 : i32
        %add3A_228 = arith.addi %add3A_227, %mul3A_226 : i32
        %get3A_229 = arith.index_cast %add3A_228 : i32 to index
        %get3A_230 = tpu.vector_load %arg6[%get3A_229] {strides = array<i32>} : memref<12288xf32, #tpu.memory_space<vmem>>, vector<16xf32>,
        %max3A_231 = arith.maximumf %max3A_224, %get3A_230 : vector<16xf32>
        %gt3A_232 = arith.constant 0.000000e+00 : f32
        %gt3A_233 = vector.broadcast %gt3A_232 : f32 to vector<16xf32>
        %gt3A_234 = arith.cmpf ogt, %max3A_231, %gt3A_233 : vector<16xf32>
        %mul3A_235 = arith.constant 4 : i32
        %mul3A_236 = arith.muli %scan3A_108, %mul3A_235 : i32
        %add3A_237 = arith.constant 0 : i32
        %add3A_238 = arith.addi %mul3A_236, %add3A_237 : i32
        %jit3A_239 = arith.constant 1.000000e+00 : f32
        %jit3A_240 = arith.constant 0.000000e+00 : f32
        %broadcast_in_dim3A_241 = vector.broadcast %jit3A_239 : f32 to vector<16xf32>
        %broadcast_in_dim3A_242 = vector.broadcast %jit3A_240 : f32 to vector<16xf32>
        %select_n3A_243 = arith.select %gt3A_138, %broadcast_in_dim3A_241, %broadcast_in_dim3A_242 : vector<16xi1>, vector<16xf32>
        %mul3A_244 = arith.constant 16 : i32
        %mul3A_245 = arith.muli %add3A_238, %mul3A_244 : i32
        %swap3A = arith.index_cast %mul3A_245 : i32 to index
        %swap3A_246 = tpu.vector_load %arg5[%swap3A] {strides = array<i32>} : memref<4096xf32, #tpu.memory_space<vmem>>, vector<16xf32>,
        tpu.vector_store %arg5[%swap3A], %select_n3A_243 {strides = array<i32>} : memref<4096xf32, #tpu.memory_space<vmem>>, vector<16xf32>,
        %mul3A_247 = arith.constant 16 : i32
        %mul3A_248 = arith.muli %add3A_238, %mul3A_247 : i32
        %add3A_249 = vector.broadcast %mul3A_248 : i32 to vector<16xi32>
        %add3A_250 = arith.addi %iota3A, %add3A_249 : vector<16xi32>
        %jit3A_251 = arith.constant -1 : i32
        %broadcast_in_dim3A_252 = vector.broadcast %jit3A_251 : i32 to vector<16xi32>
        %select_n3A_253 = arith.select %gt3A_138, %add3A_250, %broadcast_in_dim3A_252 : vector<16xi1>, vector<16xi32>
        %max3A_254 = arith.maxsi %scan3A_109, %select_n3A_253 : vector<16xi32>
        %mul3A_255 = arith.constant 4 : i32
        %mul3A_256 = arith.muli %scan3A_108, %mul3A_255 : i32
        %add3A_257 = arith.constant 1 : i32
        %add3A_258 = arith.addi %mul3A_256, %add3A_257 : i32
        %jit3A_259 = arith.constant 1.000000e+00 : f32
        %jit3A_260 = arith.constant 0.000000e+00 : f32
        %broadcast_in_dim3A_261 = vector.broadcast %jit3A_259 : f32 to vector<16xf32>
        %broadcast_in_dim3A_262 = vector.broadcast %jit3A_260 : f32 to vector<16xf32>
        %select_n3A_263 = arith.select %gt3A_170, %broadcast_in_dim3A_261, %broadcast_in_dim3A_262 : vector<16xi1>, vector<16xf32>
        %mul3A_264 = arith.constant 16 : i32
        %mul3A_265 = arith.muli %add3A_258, %mul3A_264 : i32
        %swap3A_266 = arith.index_cast %mul3A_265 : i32 to index
        %swap3A_267 = tpu.vector_load %arg5[%swap3A_266] {strides = array<i32>} : memref<4096xf32, #tpu.memory_space<vmem>>, vector<16xf32>,
        tpu.vector_store %arg5[%swap3A_266], %select_n3A_263 {strides = array<i32>} : memref<4096xf32, #tpu.memory_space<vmem>>, vector<16xf32>,
        %mul3A_268 = arith.constant 16 : i32
        %mul3A_269 = arith.muli %add3A_258, %mul3A_268 : i32
        %add3A_270 = vector.broadcast %mul3A_269 : i32 to vector<16xi32>
        %add3A_271 = arith.addi %iota3A, %add3A_270 : vector<16xi32>
        %jit3A_272 = arith.constant -1 : i32
        %broadcast_in_dim3A_273 = vector.broadcast %jit3A_272 : i32 to vector<16xi32>
        %select_n3A_274 = arith.select %gt3A_170, %add3A_271, %broadcast_in_dim3A_273 : vector<16xi1>, vector<16xi32>
        %max3A_275 = arith.maxsi %max3A_254, %select_n3A_274 : vector<16xi32>
        %mul3A_276 = arith.constant 4 : i32
        %mul3A_277 = arith.muli %scan3A_108, %mul3A_276 : i32
        %add3A_278 = arith.constant 2 : i32
        %add3A_279 = arith.addi %mul3A_277, %add3A_278 : i32
        %jit3A_280 = arith.constant 1.000000e+00 : f32
        %jit3A_281 = arith.constant 0.000000e+00 : f32
        %broadcast_in_dim3A_282 = vector.broadcast %jit3A_280 : f32 to vector<16xf32>
        %broadcast_in_dim3A_283 = vector.broadcast %jit3A_281 : f32 to vector<16xf32>
        %select_n3A_284 = arith.select %gt3A_202, %broadcast_in_dim3A_282, %broadcast_in_dim3A_283 : vector<16xi1>, vector<16xf32>
        %mul3A_285 = arith.constant 16 : i32
        %mul3A_286 = arith.muli %add3A_279, %mul3A_285 : i32
        %swap3A_287 = arith.index_cast %mul3A_286 : i32 to index
        %swap3A_288 = tpu.vector_load %arg5[%swap3A_287] {strides = array<i32>} : memref<4096xf32, #tpu.memory_space<vmem>>, vector<16xf32>,
        tpu.vector_store %arg5[%swap3A_287], %select_n3A_284 {strides = array<i32>} : memref<4096xf32, #tpu.memory_space<vmem>>, vector<16xf32>,
        %mul3A_289 = arith.constant 16 : i32
        %mul3A_290 = arith.muli %add3A_279, %mul3A_289 : i32
        %add3A_291 = vector.broadcast %mul3A_290 : i32 to vector<16xi32>
        %add3A_292 = arith.addi %iota3A, %add3A_291 : vector<16xi32>
        %jit3A_293 = arith.constant -1 : i32
        %broadcast_in_dim3A_294 = vector.broadcast %jit3A_293 : i32 to vector<16xi32>
        %select_n3A_295 = arith.select %gt3A_202, %add3A_292, %broadcast_in_dim3A_294 : vector<16xi1>, vector<16xi32>
        %max3A_296 = arith.maxsi %max3A_275, %select_n3A_295 : vector<16xi32>
        %mul3A_297 = arith.constant 4 : i32
        %mul3A_298 = arith.muli %scan3A_108, %mul3A_297 : i32
        %add3A_299 = arith.constant 3 : i32
        %add3A_300 = arith.addi %mul3A_298, %add3A_299 : i32
        %jit3A_301 = arith.constant 1.000000e+00 : f32
        %jit3A_302 = arith.constant 0.000000e+00 : f32
        %broadcast_in_dim3A_303 = vector.broadcast %jit3A_301 : f32 to vector<16xf32>
        %broadcast_in_dim3A_304 = vector.broadcast %jit3A_302 : f32 to vector<16xf32>
        %select_n3A_305 = arith.select %gt3A_234, %broadcast_in_dim3A_303, %broadcast_in_dim3A_304 : vector<16xi1>, vector<16xf32>
        %mul3A_306 = arith.constant 16 : i32
        %mul3A_307 = arith.muli %add3A_300, %mul3A_306 : i32
        %swap3A_308 = arith.index_cast %mul3A_307 : i32 to index
        %swap3A_309 = tpu.vector_load %arg5[%swap3A_308] {strides = array<i32>} : memref<4096xf32, #tpu.memory_space<vmem>>, vector<16xf32>,
        tpu.vector_store %arg5[%swap3A_308], %select_n3A_305 {strides = array<i32>} : memref<4096xf32, #tpu.memory_space<vmem>>, vector<16xf32>,
        %mul3A_310 = arith.constant 16 : i32
        %mul3A_311 = arith.muli %add3A_300, %mul3A_310 : i32
        %add3A_312 = vector.broadcast %mul3A_311 : i32 to vector<16xi32>
        %add3A_313 = arith.addi %iota3A, %add3A_312 : vector<16xi32>
        %jit3A_314 = arith.constant -1 : i32
        %broadcast_in_dim3A_315 = vector.broadcast %jit3A_314 : i32 to vector<16xi32>
        %select_n3A_316 = arith.select %gt3A_234, %add3A_313, %broadcast_in_dim3A_315 : vector<16xi1>, vector<16xi32>
        %max3A_317 = arith.maxsi %max3A_296, %select_n3A_316 : vector<16xi32>
        scf.yield %max3A_317 : vector<16xi32>
      }
      %scan3A_94 = arith.constant 64 : i32
      %reduce_max3A = arith.constant true
      %reduce_max3A_95 = vector.broadcast %reduce_max3A : i1 to vector<16xi1>
      %reduce_max3A_96 = arith.constant -2147483648 : i32
      %reduce_max3A_97 = vector.broadcast %reduce_max3A_96 : i32 to vector<16xi32>
      %reduce_max3A_98 = arith.xori %scan3A_93, %reduce_max3A_97 : vector<16xi32>
      %reduce_max3A_99 = tpu.scan <max>, %reduce_max3A_98 masked %reduce_max3A_95 : vector<16xi32>, vector<16xi1> -> vector<16xi32>
      %reduce_max3A_100 = arith.xori %reduce_max3A_99, %reduce_max3A_97 : vector<16xi32>
      %reduce_max3A_101 = vector.extract %reduce_max3A_100[15] : i32 from vector<16xi32>
      %broadcast_in_dim3A_102 = vector.broadcast %reduce_max3A_101 : i32 to vector<16xi32>
      %eq3A_103 = arith.constant 0 : i32
      %eq3A_104 = vector.broadcast %eq3A_103 : i32 to vector<16xi32>
      %eq3A_105 = arith.cmpi eq, %iota3A, %eq3A_104 : vector<16xi32>
      tpu.vector_store_idx %arg5[%broadcast_in_dim3A_102], %broadcast_in_dim3A_33 masked %eq3A_105 : memref<4096xf32, #tpu.memory_space<vmem>>[vector<16xi32>], vector<16xf32>, vector<16xi1>
      %mul3A_106 = arith.constant 4096 : i32
      %mul3A_107 = arith.muli %add3A, %mul3A_106 : i32
      "tpu.region"() ({
        %run_scoped3A = tpu.sem_alloc : memref<!tpu.dma_semaphore, #tpu.memory_space<semaphore_mem>>
        %dma_start3A_108 = tpu.memref_slice %arg3[%mul3A_107] : memref<32768xf32, #tpu.memory_space<hbm>> -> memref<4096xf32, #tpu.memory_space<hbm>>
        %dma_start3A_109 = tpu.memref_slice %arg3[%mul3A_107] : memref<32768xf32, #tpu.memory_space<hbm>> -> memref<4096xf32, #tpu.memory_space<hbm>>
        tpu.enqueue_dma source(%arg5 : memref<4096xf32, #tpu.memory_space<vmem>>) target(%dma_start3A_109 : memref<4096xf32, #tpu.memory_space<hbm>>) target_semaphore(%run_scoped3A : memref<!tpu.dma_semaphore, #tpu.memory_space<semaphore_mem>>)
        %dma_wait3A = tpu.memref_slice %arg3[%mul3A_107] : memref<32768xf32, #tpu.memory_space<hbm>> -> memref<4096xf32, #tpu.memory_space<hbm>>
        %dma_wait3A_110 = tpu.memref_slice %arg3[%mul3A_107] : memref<32768xf32, #tpu.memory_space<hbm>> -> memref<4096xf32, #tpu.memory_space<hbm>>
        tpu.wait_dma2 semaphore(%run_scoped3A : memref<!tpu.dma_semaphore, #tpu.memory_space<semaphore_mem>>) src(%arg5 : memref<4096xf32, #tpu.memory_space<vmem>>) dst(%dma_wait3A_110 : memref<4096xf32, #tpu.memory_space<hbm>>)
        tpu.yield
      }) : () -> ()
    } else {
    }
    return
  }
}

module attributes {stable_mosaic.version = 14 : i64} {
  func.func @_vox_id_body(%arg0: memref<3x8x100000xf32, #tpu.memory_space<vmem>>, %arg1: memref<800000xi32, #tpu.memory_space<vmem>>) attributes {dimension_semantics = [], scalar_prefetch = 0 : i64, scratch_operands = 0 : i64, tpu.core_type = #tpu.core_type<tc>} {
    %get3A = arith.constant 0 : index
    %get3A_0 = arith.constant 0 : index
    %get3A_1 = arith.constant 0 : index
    %get3A_2 = vector.load %arg0[%get3A, %get3A_0, %get3A_1] : memref<3x8x100000xf32, #tpu.memory_space<vmem>>, vector<1x1x100000xf32>
    %get3A_3 = vector.shape_cast %get3A_2 : vector<1x1x100000xf32> to vector<100000xf32>
    %get3A_4 = arith.constant 1 : index
    %get3A_5 = arith.constant 0 : index
    %get3A_6 = arith.constant 0 : index
    %get3A_7 = vector.load %arg0[%get3A_4, %get3A_5, %get3A_6] : memref<3x8x100000xf32, #tpu.memory_space<vmem>>, vector<1x1x100000xf32>
    %get3A_8 = vector.shape_cast %get3A_7 : vector<1x1x100000xf32> to vector<100000xf32>
    %get3A_9 = arith.constant 2 : index
    %get3A_10 = arith.constant 0 : index
    %get3A_11 = arith.constant 0 : index
    %get3A_12 = vector.load %arg0[%get3A_9, %get3A_10, %get3A_11] : memref<3x8x100000xf32, #tpu.memory_space<vmem>>, vector<1x1x100000xf32>
    %get3A_13 = vector.shape_cast %get3A_12 : vector<1x1x100000xf32> to vector<100000xf32>
    %mul3A = arith.constant 1.500000e+01 : f32
    %mul3A_14 = vector.broadcast %mul3A : f32 to vector<100000xf32>
    %mul3A_15 = arith.mulf %get3A_3, %mul3A_14 : vector<100000xf32>
    %convert_element_type3A = arith.fptosi %mul3A_15 : vector<100000xf32> to vector<100000xi32>
    %mul3A_16 = arith.constant 1.500000e+01 : f32
    %mul3A_17 = vector.broadcast %mul3A_16 : f32 to vector<100000xf32>
    %mul3A_18 = arith.mulf %get3A_8, %mul3A_17 : vector<100000xf32>
    %convert_element_type3A_19 = arith.fptosi %mul3A_18 : vector<100000xf32> to vector<100000xi32>
    %mul3A_20 = arith.constant 1.500000e+01 : f32
    %mul3A_21 = vector.broadcast %mul3A_20 : f32 to vector<100000xf32>
    %mul3A_22 = arith.mulf %get3A_13, %mul3A_21 : vector<100000xf32>
    %convert_element_type3A_23 = arith.fptosi %mul3A_22 : vector<100000xf32> to vector<100000xi32>
    %mul3A_24 = arith.constant 256 : i32
    %mul3A_25 = vector.broadcast %mul3A_24 : i32 to vector<100000xi32>
    %mul3A_26 = arith.muli %convert_element_type3A, %mul3A_25 : vector<100000xi32>
    %mul3A_27 = arith.constant 16 : i32
    %mul3A_28 = vector.broadcast %mul3A_27 : i32 to vector<100000xi32>
    %mul3A_29 = arith.muli %convert_element_type3A_19, %mul3A_28 : vector<100000xi32>
    %add3A = arith.addi %mul3A_26, %mul3A_29 : vector<100000xi32>
    %add3A_30 = arith.addi %add3A, %convert_element_type3A_23 : vector<100000xi32>
    %swap3A = arith.constant 0 : index
    %swap3A_31 = vector.load %arg1[%swap3A] : memref<800000xi32, #tpu.memory_space<vmem>>, vector<100000xi32>
    tpu.vector_store %arg1[%swap3A], %add3A_30 {strides = array<i32>} : memref<800000xi32, #tpu.memory_space<vmem>>, vector<100000xi32>,
    %get3A_32 = arith.constant 0 : index
    %get3A_33 = arith.constant 1 : index
    %get3A_34 = arith.constant 0 : index
    %get3A_35 = vector.load %arg0[%get3A_32, %get3A_33, %get3A_34] : memref<3x8x100000xf32, #tpu.memory_space<vmem>>, vector<1x1x100000xf32>
    %get3A_36 = vector.shape_cast %get3A_35 : vector<1x1x100000xf32> to vector<100000xf32>
    %get3A_37 = arith.constant 1 : index
    %get3A_38 = arith.constant 1 : index
    %get3A_39 = arith.constant 0 : index
    %get3A_40 = vector.load %arg0[%get3A_37, %get3A_38, %get3A_39] : memref<3x8x100000xf32, #tpu.memory_space<vmem>>, vector<1x1x100000xf32>
    %get3A_41 = vector.shape_cast %get3A_40 : vector<1x1x100000xf32> to vector<100000xf32>
    %get3A_42 = arith.constant 2 : index
    %get3A_43 = arith.constant 1 : index
    %get3A_44 = arith.constant 0 : index
    %get3A_45 = vector.load %arg0[%get3A_42, %get3A_43, %get3A_44] : memref<3x8x100000xf32, #tpu.memory_space<vmem>>, vector<1x1x100000xf32>
    %get3A_46 = vector.shape_cast %get3A_45 : vector<1x1x100000xf32> to vector<100000xf32>
    %mul3A_47 = arith.constant 1.500000e+01 : f32
    %mul3A_48 = vector.broadcast %mul3A_47 : f32 to vector<100000xf32>
    %mul3A_49 = arith.mulf %get3A_36, %mul3A_48 : vector<100000xf32>
    %convert_element_type3A_50 = arith.fptosi %mul3A_49 : vector<100000xf32> to vector<100000xi32>
    %mul3A_51 = arith.constant 1.500000e+01 : f32
    %mul3A_52 = vector.broadcast %mul3A_51 : f32 to vector<100000xf32>
    %mul3A_53 = arith.mulf %get3A_41, %mul3A_52 : vector<100000xf32>
    %convert_element_type3A_54 = arith.fptosi %mul3A_53 : vector<100000xf32> to vector<100000xi32>
    %mul3A_55 = arith.constant 1.500000e+01 : f32
    %mul3A_56 = vector.broadcast %mul3A_55 : f32 to vector<100000xf32>
    %mul3A_57 = arith.mulf %get3A_46, %mul3A_56 : vector<100000xf32>
    %convert_element_type3A_58 = arith.fptosi %mul3A_57 : vector<100000xf32> to vector<100000xi32>
    %mul3A_59 = arith.constant 256 : i32
    %mul3A_60 = vector.broadcast %mul3A_59 : i32 to vector<100000xi32>
    %mul3A_61 = arith.muli %convert_element_type3A_50, %mul3A_60 : vector<100000xi32>
    %mul3A_62 = arith.constant 16 : i32
    %mul3A_63 = vector.broadcast %mul3A_62 : i32 to vector<100000xi32>
    %mul3A_64 = arith.muli %convert_element_type3A_54, %mul3A_63 : vector<100000xi32>
    %add3A_65 = arith.addi %mul3A_61, %mul3A_64 : vector<100000xi32>
    %add3A_66 = arith.addi %add3A_65, %convert_element_type3A_58 : vector<100000xi32>
    %swap3A_67 = arith.constant 100000 : index
    %swap3A_68 = vector.load %arg1[%swap3A_67] : memref<800000xi32, #tpu.memory_space<vmem>>, vector<100000xi32>
    tpu.vector_store %arg1[%swap3A_67], %add3A_66 {strides = array<i32>} : memref<800000xi32, #tpu.memory_space<vmem>>, vector<100000xi32>,
    %get3A_69 = arith.constant 0 : index
    %get3A_70 = arith.constant 2 : index
    %get3A_71 = arith.constant 0 : index
    %get3A_72 = vector.load %arg0[%get3A_69, %get3A_70, %get3A_71] : memref<3x8x100000xf32, #tpu.memory_space<vmem>>, vector<1x1x100000xf32>
    %get3A_73 = vector.shape_cast %get3A_72 : vector<1x1x100000xf32> to vector<100000xf32>
    %get3A_74 = arith.constant 1 : index
    %get3A_75 = arith.constant 2 : index
    %get3A_76 = arith.constant 0 : index
    %get3A_77 = vector.load %arg0[%get3A_74, %get3A_75, %get3A_76] : memref<3x8x100000xf32, #tpu.memory_space<vmem>>, vector<1x1x100000xf32>
    %get3A_78 = vector.shape_cast %get3A_77 : vector<1x1x100000xf32> to vector<100000xf32>
    %get3A_79 = arith.constant 2 : index
    %get3A_80 = arith.constant 2 : index
    %get3A_81 = arith.constant 0 : index
    %get3A_82 = vector.load %arg0[%get3A_79, %get3A_80, %get3A_81] : memref<3x8x100000xf32, #tpu.memory_space<vmem>>, vector<1x1x100000xf32>
    %get3A_83 = vector.shape_cast %get3A_82 : vector<1x1x100000xf32> to vector<100000xf32>
    %mul3A_84 = arith.constant 1.500000e+01 : f32
    %mul3A_85 = vector.broadcast %mul3A_84 : f32 to vector<100000xf32>
    %mul3A_86 = arith.mulf %get3A_73, %mul3A_85 : vector<100000xf32>
    %convert_element_type3A_87 = arith.fptosi %mul3A_86 : vector<100000xf32> to vector<100000xi32>
    %mul3A_88 = arith.constant 1.500000e+01 : f32
    %mul3A_89 = vector.broadcast %mul3A_88 : f32 to vector<100000xf32>
    %mul3A_90 = arith.mulf %get3A_78, %mul3A_89 : vector<100000xf32>
    %convert_element_type3A_91 = arith.fptosi %mul3A_90 : vector<100000xf32> to vector<100000xi32>
    %mul3A_92 = arith.constant 1.500000e+01 : f32
    %mul3A_93 = vector.broadcast %mul3A_92 : f32 to vector<100000xf32>
    %mul3A_94 = arith.mulf %get3A_83, %mul3A_93 : vector<100000xf32>
    %convert_element_type3A_95 = arith.fptosi %mul3A_94 : vector<100000xf32> to vector<100000xi32>
    %mul3A_96 = arith.constant 256 : i32
    %mul3A_97 = vector.broadcast %mul3A_96 : i32 to vector<100000xi32>
    %mul3A_98 = arith.muli %convert_element_type3A_87, %mul3A_97 : vector<100000xi32>
    %mul3A_99 = arith.constant 16 : i32
    %mul3A_100 = vector.broadcast %mul3A_99 : i32 to vector<100000xi32>
    %mul3A_101 = arith.muli %convert_element_type3A_91, %mul3A_100 : vector<100000xi32>
    %add3A_102 = arith.addi %mul3A_98, %mul3A_101 : vector<100000xi32>
    %add3A_103 = arith.addi %add3A_102, %convert_element_type3A_95 : vector<100000xi32>
    %swap3A_104 = arith.constant 200000 : index
    %swap3A_105 = vector.load %arg1[%swap3A_104] : memref<800000xi32, #tpu.memory_space<vmem>>, vector<100000xi32>
    tpu.vector_store %arg1[%swap3A_104], %add3A_103 {strides = array<i32>} : memref<800000xi32, #tpu.memory_space<vmem>>, vector<100000xi32>,
    %get3A_106 = arith.constant 0 : index
    %get3A_107 = arith.constant 3 : index
    %get3A_108 = arith.constant 0 : index
    %get3A_109 = vector.load %arg0[%get3A_106, %get3A_107, %get3A_108] : memref<3x8x100000xf32, #tpu.memory_space<vmem>>, vector<1x1x100000xf32>
    %get3A_110 = vector.shape_cast %get3A_109 : vector<1x1x100000xf32> to vector<100000xf32>
    %get3A_111 = arith.constant 1 : index
    %get3A_112 = arith.constant 3 : index
    %get3A_113 = arith.constant 0 : index
    %get3A_114 = vector.load %arg0[%get3A_111, %get3A_112, %get3A_113] : memref<3x8x100000xf32, #tpu.memory_space<vmem>>, vector<1x1x100000xf32>
    %get3A_115 = vector.shape_cast %get3A_114 : vector<1x1x100000xf32> to vector<100000xf32>
    %get3A_116 = arith.constant 2 : index
    %get3A_117 = arith.constant 3 : index
    %get3A_118 = arith.constant 0 : index
    %get3A_119 = vector.load %arg0[%get3A_116, %get3A_117, %get3A_118] : memref<3x8x100000xf32, #tpu.memory_space<vmem>>, vector<1x1x100000xf32>
    %get3A_120 = vector.shape_cast %get3A_119 : vector<1x1x100000xf32> to vector<100000xf32>
    %mul3A_121 = arith.constant 1.500000e+01 : f32
    %mul3A_122 = vector.broadcast %mul3A_121 : f32 to vector<100000xf32>
    %mul3A_123 = arith.mulf %get3A_110, %mul3A_122 : vector<100000xf32>
    %convert_element_type3A_124 = arith.fptosi %mul3A_123 : vector<100000xf32> to vector<100000xi32>
    %mul3A_125 = arith.constant 1.500000e+01 : f32
    %mul3A_126 = vector.broadcast %mul3A_125 : f32 to vector<100000xf32>
    %mul3A_127 = arith.mulf %get3A_115, %mul3A_126 : vector<100000xf32>
    %convert_element_type3A_128 = arith.fptosi %mul3A_127 : vector<100000xf32> to vector<100000xi32>
    %mul3A_129 = arith.constant 1.500000e+01 : f32
    %mul3A_130 = vector.broadcast %mul3A_129 : f32 to vector<100000xf32>
    %mul3A_131 = arith.mulf %get3A_120, %mul3A_130 : vector<100000xf32>
    %convert_element_type3A_132 = arith.fptosi %mul3A_131 : vector<100000xf32> to vector<100000xi32>
    %mul3A_133 = arith.constant 256 : i32
    %mul3A_134 = vector.broadcast %mul3A_133 : i32 to vector<100000xi32>
    %mul3A_135 = arith.muli %convert_element_type3A_124, %mul3A_134 : vector<100000xi32>
    %mul3A_136 = arith.constant 16 : i32
    %mul3A_137 = vector.broadcast %mul3A_136 : i32 to vector<100000xi32>
    %mul3A_138 = arith.muli %convert_element_type3A_128, %mul3A_137 : vector<100000xi32>
    %add3A_139 = arith.addi %mul3A_135, %mul3A_138 : vector<100000xi32>
    %add3A_140 = arith.addi %add3A_139, %convert_element_type3A_132 : vector<100000xi32>
    %swap3A_141 = arith.constant 300000 : index
    %swap3A_142 = vector.load %arg1[%swap3A_141] : memref<800000xi32, #tpu.memory_space<vmem>>, vector<100000xi32>
    tpu.vector_store %arg1[%swap3A_141], %add3A_140 {strides = array<i32>} : memref<800000xi32, #tpu.memory_space<vmem>>, vector<100000xi32>,
    %get3A_143 = arith.constant 0 : index
    %get3A_144 = arith.constant 4 : index
    %get3A_145 = arith.constant 0 : index
    %get3A_146 = vector.load %arg0[%get3A_143, %get3A_144, %get3A_145] : memref<3x8x100000xf32, #tpu.memory_space<vmem>>, vector<1x1x100000xf32>
    %get3A_147 = vector.shape_cast %get3A_146 : vector<1x1x100000xf32> to vector<100000xf32>
    %get3A_148 = arith.constant 1 : index
    %get3A_149 = arith.constant 4 : index
    %get3A_150 = arith.constant 0 : index
    %get3A_151 = vector.load %arg0[%get3A_148, %get3A_149, %get3A_150] : memref<3x8x100000xf32, #tpu.memory_space<vmem>>, vector<1x1x100000xf32>
    %get3A_152 = vector.shape_cast %get3A_151 : vector<1x1x100000xf32> to vector<100000xf32>
    %get3A_153 = arith.constant 2 : index
    %get3A_154 = arith.constant 4 : index
    %get3A_155 = arith.constant 0 : index
    %get3A_156 = vector.load %arg0[%get3A_153, %get3A_154, %get3A_155] : memref<3x8x100000xf32, #tpu.memory_space<vmem>>, vector<1x1x100000xf32>
    %get3A_157 = vector.shape_cast %get3A_156 : vector<1x1x100000xf32> to vector<100000xf32>
    %mul3A_158 = arith.constant 1.500000e+01 : f32
    %mul3A_159 = vector.broadcast %mul3A_158 : f32 to vector<100000xf32>
    %mul3A_160 = arith.mulf %get3A_147, %mul3A_159 : vector<100000xf32>
    %convert_element_type3A_161 = arith.fptosi %mul3A_160 : vector<100000xf32> to vector<100000xi32>
    %mul3A_162 = arith.constant 1.500000e+01 : f32
    %mul3A_163 = vector.broadcast %mul3A_162 : f32 to vector<100000xf32>
    %mul3A_164 = arith.mulf %get3A_152, %mul3A_163 : vector<100000xf32>
    %convert_element_type3A_165 = arith.fptosi %mul3A_164 : vector<100000xf32> to vector<100000xi32>
    %mul3A_166 = arith.constant 1.500000e+01 : f32
    %mul3A_167 = vector.broadcast %mul3A_166 : f32 to vector<100000xf32>
    %mul3A_168 = arith.mulf %get3A_157, %mul3A_167 : vector<100000xf32>
    %convert_element_type3A_169 = arith.fptosi %mul3A_168 : vector<100000xf32> to vector<100000xi32>
    %mul3A_170 = arith.constant 256 : i32
    %mul3A_171 = vector.broadcast %mul3A_170 : i32 to vector<100000xi32>
    %mul3A_172 = arith.muli %convert_element_type3A_161, %mul3A_171 : vector<100000xi32>
    %mul3A_173 = arith.constant 16 : i32
    %mul3A_174 = vector.broadcast %mul3A_173 : i32 to vector<100000xi32>
    %mul3A_175 = arith.muli %convert_element_type3A_165, %mul3A_174 : vector<100000xi32>
    %add3A_176 = arith.addi %mul3A_172, %mul3A_175 : vector<100000xi32>
    %add3A_177 = arith.addi %add3A_176, %convert_element_type3A_169 : vector<100000xi32>
    %swap3A_178 = arith.constant 400000 : index
    %swap3A_179 = vector.load %arg1[%swap3A_178] : memref<800000xi32, #tpu.memory_space<vmem>>, vector<100000xi32>
    tpu.vector_store %arg1[%swap3A_178], %add3A_177 {strides = array<i32>} : memref<800000xi32, #tpu.memory_space<vmem>>, vector<100000xi32>,
    %get3A_180 = arith.constant 0 : index
    %get3A_181 = arith.constant 5 : index
    %get3A_182 = arith.constant 0 : index
    %get3A_183 = vector.load %arg0[%get3A_180, %get3A_181, %get3A_182] : memref<3x8x100000xf32, #tpu.memory_space<vmem>>, vector<1x1x100000xf32>
    %get3A_184 = vector.shape_cast %get3A_183 : vector<1x1x100000xf32> to vector<100000xf32>
    %get3A_185 = arith.constant 1 : index
    %get3A_186 = arith.constant 5 : index
    %get3A_187 = arith.constant 0 : index
    %get3A_188 = vector.load %arg0[%get3A_185, %get3A_186, %get3A_187] : memref<3x8x100000xf32, #tpu.memory_space<vmem>>, vector<1x1x100000xf32>
    %get3A_189 = vector.shape_cast %get3A_188 : vector<1x1x100000xf32> to vector<100000xf32>
    %get3A_190 = arith.constant 2 : index
    %get3A_191 = arith.constant 5 : index
    %get3A_192 = arith.constant 0 : index
    %get3A_193 = vector.load %arg0[%get3A_190, %get3A_191, %get3A_192] : memref<3x8x100000xf32, #tpu.memory_space<vmem>>, vector<1x1x100000xf32>
    %get3A_194 = vector.shape_cast %get3A_193 : vector<1x1x100000xf32> to vector<100000xf32>
    %mul3A_195 = arith.constant 1.500000e+01 : f32
    %mul3A_196 = vector.broadcast %mul3A_195 : f32 to vector<100000xf32>
    %mul3A_197 = arith.mulf %get3A_184, %mul3A_196 : vector<100000xf32>
    %convert_element_type3A_198 = arith.fptosi %mul3A_197 : vector<100000xf32> to vector<100000xi32>
    %mul3A_199 = arith.constant 1.500000e+01 : f32
    %mul3A_200 = vector.broadcast %mul3A_199 : f32 to vector<100000xf32>
    %mul3A_201 = arith.mulf %get3A_189, %mul3A_200 : vector<100000xf32>
    %convert_element_type3A_202 = arith.fptosi %mul3A_201 : vector<100000xf32> to vector<100000xi32>
    %mul3A_203 = arith.constant 1.500000e+01 : f32
    %mul3A_204 = vector.broadcast %mul3A_203 : f32 to vector<100000xf32>
    %mul3A_205 = arith.mulf %get3A_194, %mul3A_204 : vector<100000xf32>
    %convert_element_type3A_206 = arith.fptosi %mul3A_205 : vector<100000xf32> to vector<100000xi32>
    %mul3A_207 = arith.constant 256 : i32
    %mul3A_208 = vector.broadcast %mul3A_207 : i32 to vector<100000xi32>
    %mul3A_209 = arith.muli %convert_element_type3A_198, %mul3A_208 : vector<100000xi32>
    %mul3A_210 = arith.constant 16 : i32
    %mul3A_211 = vector.broadcast %mul3A_210 : i32 to vector<100000xi32>
    %mul3A_212 = arith.muli %convert_element_type3A_202, %mul3A_211 : vector<100000xi32>
    %add3A_213 = arith.addi %mul3A_209, %mul3A_212 : vector<100000xi32>
    %add3A_214 = arith.addi %add3A_213, %convert_element_type3A_206 : vector<100000xi32>
    %swap3A_215 = arith.constant 500000 : index
    %swap3A_216 = vector.load %arg1[%swap3A_215] : memref<800000xi32, #tpu.memory_space<vmem>>, vector<100000xi32>
    tpu.vector_store %arg1[%swap3A_215], %add3A_214 {strides = array<i32>} : memref<800000xi32, #tpu.memory_space<vmem>>, vector<100000xi32>,
    %get3A_217 = arith.constant 0 : index
    %get3A_218 = arith.constant 6 : index
    %get3A_219 = arith.constant 0 : index
    %get3A_220 = vector.load %arg0[%get3A_217, %get3A_218, %get3A_219] : memref<3x8x100000xf32, #tpu.memory_space<vmem>>, vector<1x1x100000xf32>
    %get3A_221 = vector.shape_cast %get3A_220 : vector<1x1x100000xf32> to vector<100000xf32>
    %get3A_222 = arith.constant 1 : index
    %get3A_223 = arith.constant 6 : index
    %get3A_224 = arith.constant 0 : index
    %get3A_225 = vector.load %arg0[%get3A_222, %get3A_223, %get3A_224] : memref<3x8x100000xf32, #tpu.memory_space<vmem>>, vector<1x1x100000xf32>
    %get3A_226 = vector.shape_cast %get3A_225 : vector<1x1x100000xf32> to vector<100000xf32>
    %get3A_227 = arith.constant 2 : index
    %get3A_228 = arith.constant 6 : index
    %get3A_229 = arith.constant 0 : index
    %get3A_230 = vector.load %arg0[%get3A_227, %get3A_228, %get3A_229] : memref<3x8x100000xf32, #tpu.memory_space<vmem>>, vector<1x1x100000xf32>
    %get3A_231 = vector.shape_cast %get3A_230 : vector<1x1x100000xf32> to vector<100000xf32>
    %mul3A_232 = arith.constant 1.500000e+01 : f32
    %mul3A_233 = vector.broadcast %mul3A_232 : f32 to vector<100000xf32>
    %mul3A_234 = arith.mulf %get3A_221, %mul3A_233 : vector<100000xf32>
    %convert_element_type3A_235 = arith.fptosi %mul3A_234 : vector<100000xf32> to vector<100000xi32>
    %mul3A_236 = arith.constant 1.500000e+01 : f32
    %mul3A_237 = vector.broadcast %mul3A_236 : f32 to vector<100000xf32>
    %mul3A_238 = arith.mulf %get3A_226, %mul3A_237 : vector<100000xf32>
    %convert_element_type3A_239 = arith.fptosi %mul3A_238 : vector<100000xf32> to vector<100000xi32>
    %mul3A_240 = arith.constant 1.500000e+01 : f32
    %mul3A_241 = vector.broadcast %mul3A_240 : f32 to vector<100000xf32>
    %mul3A_242 = arith.mulf %get3A_231, %mul3A_241 : vector<100000xf32>
    %convert_element_type3A_243 = arith.fptosi %mul3A_242 : vector<100000xf32> to vector<100000xi32>
    %mul3A_244 = arith.constant 256 : i32
    %mul3A_245 = vector.broadcast %mul3A_244 : i32 to vector<100000xi32>
    %mul3A_246 = arith.muli %convert_element_type3A_235, %mul3A_245 : vector<100000xi32>
    %mul3A_247 = arith.constant 16 : i32
    %mul3A_248 = vector.broadcast %mul3A_247 : i32 to vector<100000xi32>
    %mul3A_249 = arith.muli %convert_element_type3A_239, %mul3A_248 : vector<100000xi32>
    %add3A_250 = arith.addi %mul3A_246, %mul3A_249 : vector<100000xi32>
    %add3A_251 = arith.addi %add3A_250, %convert_element_type3A_243 : vector<100000xi32>
    %swap3A_252 = arith.constant 600000 : index
    %swap3A_253 = vector.load %arg1[%swap3A_252] : memref<800000xi32, #tpu.memory_space<vmem>>, vector<100000xi32>
    tpu.vector_store %arg1[%swap3A_252], %add3A_251 {strides = array<i32>} : memref<800000xi32, #tpu.memory_space<vmem>>, vector<100000xi32>,
    %get3A_254 = arith.constant 0 : index
    %get3A_255 = arith.constant 7 : index
    %get3A_256 = arith.constant 0 : index
    %get3A_257 = vector.load %arg0[%get3A_254, %get3A_255, %get3A_256] : memref<3x8x100000xf32, #tpu.memory_space<vmem>>, vector<1x1x100000xf32>
    %get3A_258 = vector.shape_cast %get3A_257 : vector<1x1x100000xf32> to vector<100000xf32>
    %get3A_259 = arith.constant 1 : index
    %get3A_260 = arith.constant 7 : index
    %get3A_261 = arith.constant 0 : index
    %get3A_262 = vector.load %arg0[%get3A_259, %get3A_260, %get3A_261] : memref<3x8x100000xf32, #tpu.memory_space<vmem>>, vector<1x1x100000xf32>
    %get3A_263 = vector.shape_cast %get3A_262 : vector<1x1x100000xf32> to vector<100000xf32>
    %get3A_264 = arith.constant 2 : index
    %get3A_265 = arith.constant 7 : index
    %get3A_266 = arith.constant 0 : index
    %get3A_267 = vector.load %arg0[%get3A_264, %get3A_265, %get3A_266] : memref<3x8x100000xf32, #tpu.memory_space<vmem>>, vector<1x1x100000xf32>
    %get3A_268 = vector.shape_cast %get3A_267 : vector<1x1x100000xf32> to vector<100000xf32>
    %mul3A_269 = arith.constant 1.500000e+01 : f32
    %mul3A_270 = vector.broadcast %mul3A_269 : f32 to vector<100000xf32>
    %mul3A_271 = arith.mulf %get3A_258, %mul3A_270 : vector<100000xf32>
    %convert_element_type3A_272 = arith.fptosi %mul3A_271 : vector<100000xf32> to vector<100000xi32>
    %mul3A_273 = arith.constant 1.500000e+01 : f32
    %mul3A_274 = vector.broadcast %mul3A_273 : f32 to vector<100000xf32>
    %mul3A_275 = arith.mulf %get3A_263, %mul3A_274 : vector<100000xf32>
    %convert_element_type3A_276 = arith.fptosi %mul3A_275 : vector<100000xf32> to vector<100000xi32>
    %mul3A_277 = arith.constant 1.500000e+01 : f32
    %mul3A_278 = vector.broadcast %mul3A_277 : f32 to vector<100000xf32>
    %mul3A_279 = arith.mulf %get3A_268, %mul3A_278 : vector<100000xf32>
    %convert_element_type3A_280 = arith.fptosi %mul3A_279 : vector<100000xf32> to vector<100000xi32>
    %mul3A_281 = arith.constant 256 : i32
    %mul3A_282 = vector.broadcast %mul3A_281 : i32 to vector<100000xi32>
    %mul3A_283 = arith.muli %convert_element_type3A_272, %mul3A_282 : vector<100000xi32>
    %mul3A_284 = arith.constant 16 : i32
    %mul3A_285 = vector.broadcast %mul3A_284 : i32 to vector<100000xi32>
    %mul3A_286 = arith.muli %convert_element_type3A_276, %mul3A_285 : vector<100000xi32>
    %add3A_287 = arith.addi %mul3A_283, %mul3A_286 : vector<100000xi32>
    %add3A_288 = arith.addi %add3A_287, %convert_element_type3A_280 : vector<100000xi32>
    %swap3A_289 = arith.constant 700000 : index
    %swap3A_290 = vector.load %arg1[%swap3A_289] : memref<800000xi32, #tpu.memory_space<vmem>>, vector<100000xi32>
    tpu.vector_store %arg1[%swap3A_289], %add3A_288 {strides = array<i32>} : memref<800000xi32, #tpu.memory_space<vmem>>, vector<100000xi32>,
    return
  }
}

</mosaic_0001>

<sc_bundles>
// kernel: kernel.4.cloned.1.call-start
scs
__scs_entry_jumppad:
0x0: {  	(pc) =	sbr.rel $0x88, $3  }
0x1: {  	(tag) =	ssettag $0x0;
	lr =	simm.s32 $0x1  }
0x2: {  	[smem:$0x3FA0] =	sst lr;
	_ =	strace $0xD0000000  }
0x3: {  	_ = 	snop  }
0x4: {  	_ = 	snop  }
0x5: {  	_ = 	snop  }
0x6: {  	_ = 	snop  }
0x7: {  	_ = 	snop  }
__scs_overlays_trampoline_lowered:
0x8: {  	[smem:$0x3FAF] =	sst s0  }
0x9: {  	[smem:$0x3FB0] =	sst s1  }
0xa: {  	[smem:$0x3FB1] =	sst s2  }
0xb: {  	[smem:$0x3FB2] =	sst s3  }
0xc: {  	[smem:$0x3FB3] =	sst s4  }
0xd: {  	[smem:$0x3FB4] =	sst s5  }
0xe: {  	[smem:$0x3FB5] =	sst s6  }
0xf: {  	[smem:$0x3FB6] =	sst s7  }
0x10: {  	[smem:$0x3FB7] =	sst s8  }
0x11: {  	[smem:$0x3FB8] =	sst s9;
	s0 =	simm.s32 @!p0 $0x0  }
0x12: {  	s1 =	sld [smem:$0x3F9E];
	s0 =	simm.s32 @p0 $0x1  }
0x13: {  	[smem:$0x3FB9] =	sst s0;
	s0 =	simm.s32 @!p1 $0x0  }
0x14: {  	s2 =	sld [smem:$0x3F9D];
	s0 =	simm.s32 @p1 $0x1  }
0x15: {  	[smem:$0x3FBA] =	sst s0;
	s0 =	simm.s32 @!p2 $0x0  }
0x16: {  	s3 =	sld [smem:$0x3FDB];
	s0 =	simm.s32 @p2 $0x1  }
0x17: {  	s4 =	simm.s32 $0x1BF5;
	[smem:$0x3FBC] =	sst s0  }
0x18: {  	s0 =	sld [smem:$0x3F9F];
	_ =	swait.ge [sflag:s4], $0x0  }
0x19: {  	s7 =	sld [smem:$0x3FA0]  }
0x1a: {  	s8 =	sadd.s32 $0xFFFFE003, lr  }
0x1b: {  	s9 =	sadd.s32 $0xFFFFFEF7, lr;
	s5 =	simm.s32 $0xFFFFFFFF;
	p2 =	slt.u32 s8, $0xFFFFF086  }
0x1c: {  	p1 =	slt.u32 s9, $0xF7A;
	s5 =	simm.s32 @!p2 $0x0  }
0x1d: {  	s5 =	simm.s32 @p1 $0x1;
	p0 =	seq.s32 s7, s2  }
0x1e: {  	s7 =	smul.u32 @!p0 $0xF7A, s2;
	p2 =	seq.s32 @!p0 s5, $0x0  }
0x1f: {  	s9 =	smul.u32 $0xF7A, s1;
	s8 =	simm.s32 @!p0 $0x1BF5;
	p2 =	por !p2, p0  }
0x20: {  	[sflag:s8] =	ssyncset.s32 @!p0 $0xFFFFF086;
	s6 =	sadd.s32 @!p0 s3, s7;
	s7 =	simm.s32 @!p0 $0x108  }
0x21: {  	s3 =	sadd.s32 s3, s9;
	s6 =	sadd.s32 @!p0 $0x88, s6;
	s7 =	simm.s32 @p2 $0x1082  }
0x22: {  	[simem:s7], [sflag:s8] =	dma.local @!p0 [hbm:s6], $0xF7A  }
0x23: {  	s9 =	sor.u32 $0xD0000000, s2;
	s6 =	simm.s32 $0x108;
	_ =	swait.ge @!p0 [sflag:s8], $0x0  }
0x24: {  	s3 =	sadd.s32 $0x88, s3;
	s6 =	simm.s32 @!p1 $0x1082;
	[sflag:s4] =	ssyncset.s32 $0xFFFFF086  }
0x25: {  	[simem:s6], [sflag:s4] =	dma.local [hbm:s3], $0xF7A  }
0x26: {  	[smem:$0x3FA0] =	sst s1;
	(tag) =	ssettag s2;
	_ =	strace s9  }
0x27: {  	s1 =	sld [smem:$0x3FB0]  }
0x28: {  	s2 =	sld [smem:$0x3FB1]  }
0x29: {  	s4 =	sld [smem:$0x3FB3]  }
0x2a: {  	p0 =	seq.s32 s5, $0x0;
	s5 =	sld [smem:$0x3FB4]  }
0x2b: {  	s6 =	sld [smem:$0x3FB5]  }
0x2c: {  	s7 =	sld [smem:$0x3FB6]  }
0x2d: {  	s3 =	simm.s32 $0x108;
	s8 =	sld [smem:$0x3FB7]  }
0x2e: {  	s3 =	simm.s32 @!p0 $0x1082;
	s9 =	sld [smem:$0x3FB8]  }
0x2f: {  	lr =	sadd.s32 s0, s3;
	s0 =	sld [smem:$0x3FAF]  }
0x30: {  	s3 =	sld [smem:$0x3FB2]  }
0x31: {  	[smem:$0x3FBB] =	sst s10  }
0x32: {  	s10 =	sld [smem:$0x3FB9];
	_ =	sdelay $0x3  }
0x33: {  	p0 =	seq.s32 s10, $0x1;
	s10 =	sld [smem:$0x3FBB];
	_ =	sdelay $0x3  }
0x34: {  	[smem:$0x3FBB] =	sst s10  }
0x35: {  	s10 =	sld [smem:$0x3FBA];
	_ =	sdelay $0x3  }
0x36: {  	p1 =	seq.s32 s10, $0x1;
	s10 =	sld [smem:$0x3FBB];
	_ =	sdelay $0x3  }
0x37: {  	[smem:$0x3FBB] =	sst s10  }
0x38: {  	s10 =	sld [smem:$0x3FBC]  }
0x39: {  	_ = 	snop;
	(pc) =	sbr.ind lr, $3  }
0x3a: {  	_ = 	snop  }
0x3b: {  	_ = 	snop  }
0x3c: {  	p2 =	seq.s32 s10, $0x1;
	s10 =	sld [smem:$0x3FBB]  }
0x3d: {  	_ =	shalt  }
0x3e: {  	_ =	shalt  }
0x3f: {  	_ =	shalt  }
0x40: {  	_ =	shalt  }
0x41: {  	_ =	shalt  }
0x42: {  	_ =	shalt  }
0x43: {  	_ =	shalt  }
0x44: {  	_ =	shalt  }
0x45: {  	_ =	shalt  }
0x46: {  	_ =	shalt  }
0x47: {  	_ =	shalt  }
0x48: {  	_ =	shalt  }
0x49: {  	_ =	shalt  }
0x4a: {  	_ =	shalt  }
0x4b: {  	_ =	shalt  }
0x4c: {  	_ =	shalt  }
0x4d: {  	_ =	shalt  }
0x4e: {  	_ =	shalt  }
0x4f: {  	_ =	shalt  }
0x50: {  	_ =	shalt  }
0x51: {  	_ =	shalt  }
0x52: {  	_ =	shalt  }
0x53: {  	_ =	shalt  }
0x54: {  	_ =	shalt  }
0x55: {  	_ =	shalt  }
0x56: {  	_ =	shalt  }
0x57: {  	_ =	shalt  }
0x58: {  	_ =	shalt  }
0x59: {  	_ =	shalt  }
0x5a: {  	_ =	shalt  }
0x5b: {  	_ =	shalt  }
0x5c: {  	_ =	shalt  }
0x5d: {  	_ =	shalt  }
0x5e: {  	_ =	shalt  }
0x5f: {  	_ =	shalt  }
0x60: {  	_ =	shalt  }
0x61: {  	_ =	shalt  }
0x62: {  	_ =	shalt  }
0x63: {  	_ =	shalt  }
0x64: {  	_ =	shalt  }
0x65: {  	_ =	shalt  }
0x66: {  	_ =	shalt  }
0x67: {  	_ =	shalt  }
0x68: {  	_ =	shalt  }
0x69: {  	_ =	shalt  }
0x6a: {  	_ =	shalt  }
0x6b: {  	_ =	shalt  }
0x6c: {  	_ =	shalt  }
0x6d: {  	_ =	shalt  }
0x6e: {  	_ =	shalt  }
0x6f: {  	_ =	shalt  }
0x70: {  	_ =	shalt  }
0x71: {  	_ =	shalt  }
0x72: {  	_ =	shalt  }
0x73: {  	_ =	shalt  }
0x74: {  	_ =	shalt  }
0x75: {  	_ =	shalt  }
0x76: {  	_ =	shalt  }
0x77: {  	_ =	shalt  }
0x78: {  	_ =	shalt  }
0x79: {  	_ =	shalt  }
0x7a: {  	_ =	shalt  }
0x7b: {  	_ =	shalt  }
0x7c: {  	_ =	shalt  }
0x7d: {  	_ =	shalt  }
0x7e: {  	_ =	shalt  }
0x7f: {  	_ =	shalt  }
0x80: {  	_ =	shalt  }
0x81: {  	_ =	shalt  }
0x82: {  	_ =	shalt  }
0x83: {  	_ =	shalt  }
0x84: {  	_ =	shalt  }
0x85: {  	_ =	shalt  }
0x86: {  	_ =	shalt  }
0x87: {  	_ =	shalt  }
.Lfunc_end0:
.L_simem_size_0:
called_computation_lowered:
.L_overlay_start_0:
0x88: {  	s2 =	sld [smem:$0x3FD9]  }
0x89: {  	s3 =	sld [smem:$0x3FFE];
	_ =	sdelay $0x1  }
0x8a: {  	s1 =	srdreg.scid  }
0x8b: {  	s0 =	sand.u32 $0x1, s1  }
0x8c: {  	s16 =	sshll.u32 s0, $0xA;
	s2 =	sadd.s32 s3, s2  }
0x8d: {  	s2 =	sadd.s32 s2, s16  }
0x8e: {  	[smem:$0x3FC7] =	sst s2  }
0x8f: {  	_ = 	snop  }
0x90: {  	(tm) =	ssettm $0x1  }
0x91: {  	s17 =	sld [smem:$0x3FFB];
	_ =	sdelay $0x3  }
0x92: {  	_ =	strace s17  }
0x93: {  	s2 =	sld [smem:$0x3FFC];
	_ =	sdelay $0x3  }
0x94: {  	_ =	strace s2  }
0x95: {  	s2 =	sld [smem:$0x3FFD];
	_ =	sdelay $0x3  }
0x96: {  	_ =	strace s2  }
0x97: {  	_ =	strace $0x8FFFFFFF  }
0x98: {  	s18 =	sld [smem:$0x3FDB];
	_ =	sdelay $0x1  }
0x99: {  	s19 =	simm.s32 $_scs_section_size  }
0x9a: {  	s4 =	simm.s32 $_size__tile_overlayer_lowered;
	s5 =	simm.s32 $_tile_overlayer_lowered  }
0x9b: {  	s22 =	simm.s32 $0x1BFF;
	s21 =	sshll.u32 s5, $0x1;
	s2 =	sadd.s32 s19, s18  }
0x9c: {  	s6 =	simm.s32 $0x0;
	s20 =	sshll.u32 s4, $0x1;
	s4 =	sadd.s32 s21, s2  }
0x9d: {  	[timem:s6], [sflag:s22] =	dma.local [hbm:s4], s20  }
0x9e: {  	_ =	swait.ge [sflag:s22], s20  }
0x9f: {  	s3 =	ssub.s32 $0x0, s20;
	[sflag:s22] =	ssyncset.done $0x0  }
0xa0: {  	[sflag:s22] =	ssyncadd.s32 s3;
	_ =	sdelay $0x1  }
0xa1: {  	s23 =	simm.s32 $0x1B8B  }
0xa2: {  	_ =	swait.ge [sflag:s23], $0x1  }
0xa3: {  	[sflag:s23] =	ssyncset.done $0x0  }
0xa4: {  	s25 =	simm.s32 $0x1B8E;
	s24 =	sld [smem:$0x3FFE];
	[sflag:s23] =	ssyncadd.s32 $0xFFFFFFFF  }
0xa5: {  	s26 =	simm.s32 $execute0_lowered;
	[smem:$0x3FD2] =	sst s25  }
0xa6: {  	s4 =	sshll.u32 s26, $0x1;
	_ =	strace $0x80000046;
	[dreg:$0x1] =	wrdreg $0xFFFFFFFF  }
0xa7: {  	s28 =	simm.s32 $_size_execute0_lowered;
	s2 =	sadd.s32 s2, s4;
	[dreg:$0x0] =	wrdreg $0x0  }
0xa8: {  	s4 =	sshll.u32 s28, $0x1;
	[dreg:$0x2] =	wrdreg s2  }
0xa9: {  	[dreg:$0x3] =	wrdreg s4  }
0xaa: {  	[dreg:$0x4] =	wrdreg $0xC0  }
0xab: {  	_ =	task [dreg:s6], $0x5FFFF  }
0xac: {  	[dreg:$0x1] =	wrdreg $0xFFFFFFFF  }
0xad: {  	[dreg:$0x0] =	wrdreg $0x60  }
0xae: {  	[dreg:$0x2] =	wrdreg s24  }
0xaf: {  	[dreg:$0x3] =	wrdreg $0x5F800  }
0xb0: {  	[dreg:$0x4] =	wrdreg $0x9  }
0xb1: {  	_ =	task.clear_ibuf [dreg:s6], $0x5FFFF;
	_ =	strace $0x90000046  }
0xb2: {  	s29 =	simm.s32 $0x9;
	_ =	strace $0x80000048  }
0xb3: {  	_ =	swait.ge [sflag:s29], $0x1  }
0xb4: {  	[sflag:s29] =	ssyncadd.s32 $0xFFFFFFFF  }
0xb5: {  	_ =	strace $0x90000048  }
0xb6: {  	_ =	sfence  }
0xb7: {  	s30 =	sld [smem:$0x0];
	_ =	sdelay $0x2  }
0xb8: {  	s31 =	sshll.u32 s1, $0xD;
	s1 =	sshrl.u32 s1, $0x2  }
0xb9: {  	s3 =	sand.u32 $0x4000, s31;
	s1 =	sadd.s32 s1, s30  }
0xba: {  	s0 =	sor.u32 s3, s0;
	s1 =	sshll.u32 s1, $0x11  }
0xbb: {  	s0 =	sor.u32 s1, s0  }
0xbc: {  	s0 =	sadd.s32 $0x8F2B, s0  }
0xbd: {  	[sflag:s0] =	ssyncadd.remote.s32 $0x1  }
0xbe: {  	_ =	sfence.sel $0xFFFF  }
0xbf: {  	[dreg:$0x0] =	wrdreg $0xFFFFFFFF;
	(pc) =	sbr.abs _section_cstart, $3  }
0xc0: {  	[dreg:$0x1] =	wrdreg $0xFFFFFFFF  }
0xc1: {  	_ =	task.clear_ibuf [dreg:s6], $0x2FFFF;
	_ =	strace $0x9FFFFFFF  }
0xc2: {  	(tm) =	ssettm $0x7FFFFFFF  }
0xc3: {  	_ =	shalt  }
tec
execute0_lowered:
.L_overlay_start_1:
0x0: {  	(tag) =	ssettag $0x1  }
0x1: {  	s5 =	rddreg [dreg:$0x0]  }
0x2: {  	s7 =	rddreg [dreg:$0x1]  }
0x3: {  	s0 =	rddreg [dreg:$0x2]  }
0x4: {  	s2 =	simm.s32 $0x0;
	s3 =	srdreg.scid;
	s1 =	stileid.u32  }
0x5: {  	s14 =	simm.s32 $0x1;
	s15 =	simm.s32 $0x1F80;
	s16 =	simm.s32 $0x80  }
0x6: {  	s17 =	simm.s32 $0x400;
	s18 =	simm.s32 $0x2F80;
	s19 =	simm.s32 $0x2  }
0x7: {  	s20 =	simm.s32 $0x3F80;
	s21 =	simm.s32 $0x4F80;
	s22 =	simm.s32 $0x0  }
0x8: {  	[smem:$0x7FF] =	sst s2;
	s6 =	sand.u32 $0x1, s3;
	s8 =	sshrl.u32 s1, $0x2  }
0x9: {  	s3 =	sadd.s32 $0xA00, s5;
	s29 =	sshll.u32 s1, $0xC;
	s30 =	sshll.u32 s1, $0x7  }
0xa: {  	_ =	strace $0x80000047;
	s4 =	sshll.u32 s6, $0x2;
	s26 =	ssub.s32 $0x2, s6  }
0xb: {  	s6 =	simm.s32 $0x7;
	s8 =	sor.u32 s8, s4;
	s4 =	sand.u32 $0x3, s1  }
0xc: {  	s11 =	sand.u32 $0x200, s30;
	s10 =	sshrl.u32 s26, $0x1;
	p1 =	seq.s32 s4, $0x1  }
0xd: {  	s9 =	sshll.u32 s8, $0x9;
	p0 =	seq.s32 s4, $0x0;
	s4 =	simm.s32 @p1 $0x0  }
0xe: {  	s12 =	sadd.s32 s9, s5;
	s5 =	smul.u32 $0x186A0, s8;
	s4 =	simm.s32 @p0 $0x1  }
0xf: {  	s31 =	sand.u32 $0x380, s30;
	s13 =	ssub.s32 s26, s10;
	s28 =	smul.u32 $0xFA0, s4  }
.Ltmp0:
0x10: {  	s9 =	sand.u32 $0x8000, s29;
	s13 =	smax.u32 s13, $0x1;
	(pc) =	sbr.rel .LBB2_1-.Ltmp0, $4  }
0x11: {  	s9 =	sadd.s32 s9, s7;
	s12 =	sadd.s32 $0x19200, s12;
	s8 =	sadd.s32 s5, s28  }
0x12: {  	p1 =	seq.s32 s4, $0x0;
	s11 =	sadd.s32 s11, s9;
	s8 =	sshrl.u32 s8, $0x3  }
0x13: {  	s6 =	simm.s32 @!p1 $0x6;
	s10 =	sadd.s32 $0x100, s11;
	s7 =	sadd.s32 s3, s8  }
0x14: {  	v0 =	vimm.f32 $0.0e+00;
	v1 =	vimm.f32 $1.000000000e+00;
	v2 =	vlaneseq.u32;
	s8 =	sadd.s32 s31, s9;
	s9 =	sadd.s32 $0x80, s11;
	s11 =	sadd.s32 $0x180, s11  }
.LBB2_9:
0x15: {  	[spmem:s8] =	stream.strided.scatter [tilespmem:s15], [sflag:$0x2], $0x1000, s17, s16, $0x38;
	[tilespmem:$0x6F80] =	vst v63  }
0x16: {  	_ =	swait.ge [sflag:s19], $0x1000  }
0x17: {  	[sflag:s19] =	ssyncset.done $0x0  }
0x18: {  	[sflag:s19] =	ssyncadd.s32 $0xFFFFF000  }
0x19: {  	[bflag:$0x0] =	sbarrier.arrive $0xFFFF  }
.LBB2_13:
0x1a: {  	s22 =	sadd.s32 $0x1, s22  }
0x1b: {  	p1 =	sne.s32 s22, s13  }
.Ltmp1:
0x1c: {  	_ = 	snop;
	(pc) =	sbr.rel @!p1 .LBB2_14-.Ltmp1, $1  }
0x1d: {  	_ =	sdelay $0x3  }
.LBB2_1:
0x1e: {  	[tilespmem:s2], [sflag:$0x1] =	stream.linear.gather [hbm4b:s7+s2], $0xFA0, $0x38;
	[tilespmem:$0x6F80] =	vst v63  }
0x1f: {  	s23 =	simm.s32 $0x40;
	s24 =	simm.s32 $0x0  }
.LBB2_2:
0x20: {  	p1 =	seq.s32 s23, $0x3FC0;
	[tilespmem:s24+$0x1F80] =	vst v0;
	s24 =	smov.u32 s23;
	s23 =	sadd.s32 $0x40, s23  }
.Ltmp2:
0x21: {  	(pc) =	sbr.rel @!p1 .LBB2_2-.Ltmp2, $2  }
0x22: {  	_ =	sdelay $0x2  }
0x23: {  	s24 =	sshra.s32 s24, $0x2  }
0x24: {  	[tilespmem:s24+$0x1F80] =	vst v0;
	s23 =	simm.s32 $0x0  }
.LBB2_5:
0x25: {  	s24 =	sand.u32 $0x1, s23;
	s23 =	sadd.s32 $0x1, s23  }
0x26: {  	p1 =	sge.u32 s23, s6  }
0x27: {  	s25 =	sshll.u32 @!p1 s23, $0x2  }
0x28: {  	_ =	swait.ge [sflag:s14], $0xFA0;
	s25 =	sor.u32 @!p1 s4, s25  }
0x29: {  	p2 =	seq.s32 s24, $0x1;
	s24 =	simm.s32 $0xFA0;
	s25 =	smul.u32 @!p1 $0xFA0, s25  }
0x2a: {  	[sflag:s14] =	ssyncset.done $0x0;
	s24 =	simm.s32 @!p2 $0x0;
	s26 =	sand.u32 @!p1 $0x1, s23  }
0x2b: {  	[sflag:s14] =	ssyncadd.s32 $0xFFFFF060;
	p2 =	seq.s32 @!p1 s26, $0x1;
	s25 =	sadd.s32 @!p1 s5, s25  }
0x2c: {  	s26 =	simm.s32 @!p1 $0xFA0;
	p2 =	por !p2, p1;
	s25 =	sshrl.u32 @!p1 s25, $0x3  }
0x2d: {  	s28 =	simm.s32 @!p1 $0x0;
	s26 =	simm.s32 @p2 $0x0;
	s25 =	sadd.s32 @!p1 s3, s25  }
0x2e: {  	[tilespmem:s26], [sflag:$0x1] =	stream.linear.gather @!p1 [hbm4b:s25+s28], $0xFA0, $0x38;
	[tilespmem:$0x6F80] =	vst v63  }
0x2f: {  	s25 =	sadd.s32 $0x50, s24  }
0x30: {  	v3 =	vld [tilespmem:s25+$0x40]  }
0x31: {  	v5 =	vld [tilespmem:s25+$0xFFFFFFB0]  }
0x32: {  	v6 =	vld [tilespmem:s25+$0xFFFFFFC0]  }
0x33: {  	v7 =	vld [tilespmem:s25+$0xFFFFFFD0]  }
0x34: {  	v8 =	vld [tilespmem:s25+$0xFFFFFFE0]  }
0x35: {  	v9 =	vld [tilespmem:s25+$0xFFFFFFF0]  }
0x36: {  	v10 =	vld [tilespmem:s25+$0x0]  }
0x37: {  	s31 =	sadd.s32 $0x0, s24;
	v11 =	vld [tilespmem:s25+$0x10]  }
0x38: {  	s26 =	sand.u32 $0x3FE0, s31;
	v4 =	vld [tilespmem:s25+$0x20]  }
0x39: {  	v12 =	vld [tilespmem:s26+$0x80];
	[tilespmem:v5+s15+$0x0] =	vst.idx.msk $0xffff, v1  }
0x3a: {  	[tilespmem:v6+s15+$0x0] =	vst.idx.msk $0xffff, v1  }
0x3b: {  	[tilespmem:v7+s15+$0x0] =	vst.idx.msk $0xffff, v1  }
0x3c: {  	[tilespmem:v8+s15+$0x0] =	vst.idx.msk $0xffff, v1  }
0x3d: {  	[tilespmem:v9+s15+$0x0] =	vst.idx.msk $0xffff, v1  }
0x3e: {  	[tilespmem:v10+s15+$0x0] =	vst.idx.msk $0xffff, v1  }
0x3f: {  	[tilespmem:v11+s15+$0x0] =	vst.idx.msk $0xffff, v1  }
0x40: {  	[tilespmem:v4+s15+$0x0] =	vst.idx.msk $0xffff, v1  }
0x41: {  	s26 =	simm.s32 $0xA0;
	[tilespmem:v12+s15+$0x0] =	vst.idx.msk $0xffff, v1  }
.LBB2_6:
0x42: {  	p1 =	seq.s32 s26, $0xF00  }
0x43: {  	[tilespmem:v3+s15+$0x0] =	vst.idx.msk $0xffff, v1;
	s25 =	sadd.s32 $0xA0, s25;
	s28 =	smov.u32 s26;
	s26 =	sadd.s32 $0xA0, s26  }
0x44: {  	v3 =	vld [tilespmem:s25+$0x40]  }
0x45: {  	v4 =	vld [tilespmem:s25+$0x20]  }
0x46: {  	v5 =	vld [tilespmem:s25+$0xFFFFFFB0]  }
0x47: {  	v6 =	vld [tilespmem:s25+$0xFFFFFFC0]  }
0x48: {  	v7 =	vld [tilespmem:s25+$0xFFFFFFD0]  }
0x49: {  	v8 =	vld [tilespmem:s25+$0xFFFFFFE0]  }
0x4a: {  	v9 =	vld [tilespmem:s25+$0xFFFFFFF0]  }
0x4b: {  	s28 =	sadd.s32 s28, s24;
	v10 =	vld [tilespmem:s25+$0x0]  }
0x4c: {  	s28 =	sand.u32 $0x3FE0, s28;
	v11 =	vld [tilespmem:s25+$0x10]  }
0x4d: {  	v12 =	vld [tilespmem:s28+$0x80]  }
0x4e: {  	[tilespmem:v5+s15+$0x0] =	vst.idx.msk $0xffff, v1  }
0x4f: {  	[tilespmem:v6+s15+$0x0] =	vst.idx.msk $0xffff, v1  }
0x50: {  	[tilespmem:v7+s15+$0x0] =	vst.idx.msk $0xffff, v1  }
0x51: {  	[tilespmem:v8+s15+$0x0] =	vst.idx.msk $0xffff, v1  }
.Ltmp3:
0x52: {  	[tilespmem:v9+s15+$0x0] =	vst.idx.msk $0xffff, v1;
	(pc) =	sbr.rel @!p1 .LBB2_6-.Ltmp3, $4  }
0x53: {  	[tilespmem:v10+s15+$0x0] =	vst.idx.msk $0xffff, v1  }
0x54: {  	[tilespmem:v11+s15+$0x0] =	vst.idx.msk $0xffff, v1  }
0x55: {  	[tilespmem:v4+s15+$0x0] =	vst.idx.msk $0xffff, v1  }
0x56: {  	[tilespmem:v12+s15+$0x0] =	vst.idx.msk $0xffff, v1  }
0x57: {  	_ =	sdelay $0x3  }
0x58: {  	[tilespmem:v3+s15+$0x0] =	vst.idx.msk $0xffff, v1  }
0x59: {  	p1 =	seq.s32 s23, s6  }
.Ltmp4:
0x5a: {  	_ = 	snop;
	(pc) =	sbr.rel @!p1 .LBB2_5-.Ltmp4, $1  }
0x5b: {  	_ =	sdelay $0x3  }
.Ltmp5:
0x5c: {  	(pc) =	sbr.rel @!p0 .LBB2_9-.Ltmp5, $1  }
0x5d: {  	_ =	sdelay $0x3  }
0x5e: {  	[bflag:$0x0] =	sbarrier.arrive $0xFFFF  }
0x5f: {  	[tilespmem:s18], [sflag:$0x2] =	stream.strided.gather [spmem:s9], $0x1000, s17, s16, $0x38;
	[tilespmem:$0x6F80] =	vst v63  }
0x60: {  	_ =	swait.ge [sflag:s19], $0x1000  }
0x61: {  	[sflag:s19] =	ssyncset.done $0x0  }
0x62: {  	[sflag:s19] =	ssyncadd.s32 $0xFFFFF000  }
0x63: {  	[tilespmem:s20], [sflag:$0x2] =	stream.strided.gather [spmem:s10], $0x1000, s17, s16, $0x38;
	[tilespmem:$0x6F80] =	vst v63  }
0x64: {  	_ =	swait.ge [sflag:s19], $0x1000  }
0x65: {  	[sflag:s19] =	ssyncset.done $0x0  }
0x66: {  	[sflag:s19] =	ssyncadd.s32 $0xFFFFF000  }
0x67: {  	[tilespmem:s21], [sflag:$0x2] =	stream.strided.gather [spmem:s11], $0x1000, s17, s16, $0x38;
	[tilespmem:$0x6F80] =	vst v63  }
0x68: {  	_ =	swait.ge [sflag:s19], $0x1000  }
0x69: {  	[sflag:s19] =	ssyncset.done $0x0  }
0x6a: {  	s23 =	simm.s32 $0x1FA0;
	[sflag:s19] =	ssyncadd.s32 $0xFFFFF000  }
0x6b: {  	v4 =	vld [tilespmem:s23+$0xFFFFFFF0]  }
0x6c: {  	v3 =	vld [tilespmem:s23+$0x10]  }
0x6d: {  	v5 =	vld [tilespmem:s23+$0x0]  }
0x6e: {  	s25 =	simm.s32 $0x3FA0;
	v8 =	vld [tilespmem:s23+$0xFFFFFFE0]  }
0x6f: {  	v6 =	vld [tilespmem:s25+$0xFFFFF010]  }
0x70: {  	v7 =	vld [tilespmem:s25+$0xFFFFF000]  }
0x71: {  	v9 =	vld [tilespmem:s25+$0x1000]  }
0x72: {  	v10 =	vld [tilespmem:s25+$0x10]  }
0x73: {  	v11 =	vld [tilespmem:s25+$0x0]  }
0x74: {  	v12 =	vld [tilespmem:s25+$0x1010]  }
0x75: {  	v13 =	vld [tilespmem:s25+$0xFFFFEFF0]  }
0x76: {  	s24 =	simm.s32 $0x0;
	v14 =	vld [tilespmem:s25+$0xFFFFEFE0]  }
0x77: {  	s26 =	sand.u32 $0xFC0, s24;
	v15 =	vld [tilespmem:s25+$0xFFFFFFF0];
	v3 =	vmax.f32 v3, v6  }
0x78: {  	v6 =	vmax.f32 v5, v7;
	v5 =	vld [tilespmem:s26+$0x3F80];
	v3 =	vmax.f32 v3, v10  }
0x79: {  	v7 =	vld [tilespmem:s26+$0x4F80];
	v6 =	vmax.f32 v6, v11;
	v10 =	vmax.f32 v3, v12  }
0x7a: {  	v4 =	vmax.f32 v4, v13;
	v9 =	vmax.f32 v6, v9;
	v6 =	vld [tilespmem:s25+$0xFF0];
	vm0 =	vgt.f32 v10, $0.0e+00  }
0x7b: {  	v3 =	vimm.s32 $0xFFFFFFFF;
	vm1 =	vgt.f32 v9, $0.0e+00;
	v10 =	vsel vm0, $0x3F800000, v0  }
0x7c: {  	s28 =	simm.s32 $0x1FE0;
	s26 =	simm.s32 $0x3FE0;
	s25 =	simm.s32 $0x40;
	v9 =	vmax.f32 v8, v14;
	v8 =	vmax.f32 v4, v15;
	v4 =	vsel vm1, $0x3F800000, v0;
	[tilespmem:s23+$0x10] =	vst v10  }
.LBB2_11:
0x7d: {  	v10 =	vld [tilespmem:s28+$0xFFFFFFF0];
	p1 =	sne.s32 s25, $0xFC0;
	v5 =	vmax.f32 v9, v5;
	s29 =	smov.u32 s25;
	s25 =	sadd.s32 $0x40, s25  }
0x7e: {  	v9 =	vld [tilespmem:s28+$0x10];
	v5 =	vmax.f32 v5, v7  }
0x7f: {  	s30 =	sadd.s32 $0x10, s24;
	vm2 =	vgt.f32 v5, $0.0e+00;
	v5 =	vmax.f32 v8, v6;
	v6 =	vor.u32 s24, v2;
	[tilespmem:s23+$0x0] =	vst v4  }
0x80: {  	s31 =	sand.u32 $0xFC0, s29;
	v7 =	vor.u32 s30, v2;
	v4 =	vld [tilespmem:s28+$0x0];
	vm3 =	vgt.f32 v5, $0.0e+00;
	v5 =	vsel vm2, $0x3F800000, v0  }
0x81: {  	[tilespmem:s23+$0xFFFFFFE0] =	vst v5;
	v5 =	vnsel vm2, $0xFFFFFFFF, v6;
	v6 =	vsel vm3, $0x3F800000, v0;
	v7 =	vnsel vm3, $0xFFFFFFFF, v7  }
0x82: {  	s30 =	sadd.s32 $0x20, s24;
	v8 =	vld [tilespmem:s28+$0xFFFFFFE0];
	vm2 =	vgt.s32 v3, v5;
	[tilespmem:s23+$0xFFFFFFF0] =	vst v6;
	s23 =	smov.u32 s28  }
0x83: {  	v6 =	vld [tilespmem:s26+$0xFFFFF010];
	v3 =	vsel vm2, v3, v5;
	v5 =	vor.u32 s30, v2  }
0x84: {  	s30 =	sadd.s32 $0x30, s24;
	s24 =	smov.u32 s29;
	v11 =	vld [tilespmem:s26+$0xFFFFF000];
	vm2 =	vgt.s32 v3, v7;
	v5 =	vnsel vm1, $0xFFFFFFFF, v5  }
0x85: {  	v12 =	vld [tilespmem:s26+$0x1000];
	v3 =	vsel vm2, v3, v7;
	v7 =	vor.u32 s30, v2  }
0x86: {  	v13 =	vld [tilespmem:s26+$0x10];
	vm1 =	vgt.s32 v3, v5;
	v7 =	vnsel vm0, $0xFFFFFFFF, v7  }
0x87: {  	v14 =	vld [tilespmem:s26+$0x0];
	v3 =	vsel vm1, v3, v5  }
0x88: {  	v15 =	vld [tilespmem:s26+$0x1010];
	vm0 =	vgt.s32 v3, v7  }
0x89: {  	v16 =	vld [tilespmem:s26+$0xFFFFEFF0];
	v3 =	vsel vm0, v3, v7  }
0x8a: {  	v17 =	vld [tilespmem:s26+$0xFFFFEFE0]  }
0x8b: {  	v6 =	vmax.f32 v9, v6;
	v4 =	vmax.f32 v4, v11;
	v18 =	vld [tilespmem:s26+$0xFFFFFFF0]  }
.Ltmp6:
0x8c: {  	v6 =	vmax.f32 v6, v13;
	v5 =	vld [tilespmem:s31+$0x3F80];
	v4 =	vmax.f32 v4, v14;
	(pc) =	sbr.rel @p1 .LBB2_11-.Ltmp6, $4  }
0x8d: {  	v7 =	vld [tilespmem:s31+$0x4F80];
	v4 =	vmax.f32 v4, v12;
	v9 =	vmax.f32 v6, v15  }
0x8e: {  	v6 =	vld [tilespmem:s26+$0xFF0];
	vm1 =	vgt.f32 v4, $0.0e+00;
	vm0 =	vgt.f32 v9, $0.0e+00  }
0x8f: {  	v4 =	vmax.f32 v10, v16;
	v9 =	vmax.f32 v8, v17;
	v10 =	vsel vm0, $0x3F800000, v0  }
0x90: {  	s28 =	sadd.s32 $0x40, s28;
	s26 =	sadd.s32 $0x40, s26;
	v8 =	vmax.f32 v4, v18;
	v4 =	vsel vm1, $0x3F800000, v0;
	[tilespmem:s23+$0x10] =	vst v10  }
0x91: {  	v5 =	vmax.f32 v9, v5  }
0x92: {  	v5 =	vmax.f32 v5, v7  }
0x93: {  	v58 =	vor.u32 s24, v2;
	vm2 =	vgt.f32 v5, $0.0e+00  }
0x94: {  	s25 =	sadd.s32 $0x10, s24;
	v6 =	vmax.f32 v8, v6;
	v5 =	vnsel vm2, $0xFFFFFFFF, v58  }
0x95: {  	v59 =	vor.u32 s25, v2;
	vm3 =	vgt.f32 v6, $0.0e+00;
	vm4 =	vgt.s32 v3, v5  }
0x96: {  	s29 =	sadd.s32 $0x20, s24;
	v6 =	vnsel vm3, $0xFFFFFFFF, v59;
	v3 =	vsel vm4, v3, v5  }
0x97: {  	v60 =	vor.u32 s29, v2;
	vm4 =	vgt.s32 v3, v6  }
0x98: {  	s30 =	sadd.s32 $0x30, s24;
	v5 =	vnsel vm1, $0xFFFFFFFF, v60;
	v3 =	vsel vm4, v3, v6  }
0x99: {  	v61 =	vor.u32 s30, v2;
	vm1 =	vgt.s32 v3, v5  }
0x9a: {  	v6 =	vnsel vm0, $0xFFFFFFFF, v61;
	v3 =	vsel vm1, v3, v5  }
0x9b: {  	vm0 =	vgt.s32 v3, v6  }
0x9c: {  	v3 =	vsel vm0, v3, v6  }
0x9d: {  	v3 =	vxor.u32 $0x80000000, v3  }
0x9e: {  	(xrf0) =	vmax.scan.msk.u32 $0xffff, v3;
	_ =	sdelay $0x5  }
0x9f: {  	v3, _, _ =	vpop (xrf0)  }
0xa0: {  	(v2sf) =	vpush v3, $0xF;
	_ =	sdelay $0xe  }
0xa1: {  	s31 =	spop (v2sf)  }
0xa2: {  	s24 =	sxor.u32 $0x80000000, s31  }
0xa3: {  	v3 =	vmov s24;
	_ =	sdelay $0x1  }
0xa4: {  	[tilespmem:s23+$0x0] =	vst v4;
	v62 =	vsel vm2, $0x3F800000, v0  }
0xa5: {  	[tilespmem:s23+$0xFFFFFFE0] =	vst v62;
	v63 =	vsel vm3, $0x3F800000, v0  }
0xa6: {  	[tilespmem:s23+$0xFFFFFFF0] =	vst v63  }
.Ltmp7:
0xa7: {  	[tilespmem:v3+s15+$0x0] =	vst.idx.msk $0x1, v0;
	(pc) =	sbr.rel .LBB2_13-.Ltmp7, $4  }
0xa8: {  	[hbm4b:s12+s2] =	stream.linear.scatter [tilespmem:s15], [sflag:$0x2], $0x1000, $0x38;
	[tilespmem:$0x6F80] =	vst v63  }
0xa9: {  	_ =	swait.ge [sflag:s19], $0x1000  }
0xaa: {  	[sflag:s19] =	ssyncset.done $0x0  }
0xab: {  	[sflag:s19] =	ssyncadd.s32 $0xFFFFF000  }
.LBB2_14:
0xac: {  	_ =	sfence.sel $0x180000  }
0xad: {  	[bflag:$0x0] =	sbarrier.arrive $0xFFFF  }
0xae: {  	p0 =	sne.s32 s1, $0x0;
	_ =	strace $0x90000047  }
0xaf: {  	s0 =	sadd.s32 @!p0 $0x100000, s0;
	[bflag:$0x2] =	sbarrier.arrive $0xFFFF  }
0xb0: {  	[sflag:s0] =	ssyncadd.tile.s32 @!p0 $0x1;
	_ =	shalt  }
.Lfunc_end2:
_tile_overlayer_lowered:
.L_overlay_start_2:
0xb1: {  	(tag) =	ssettag $0x2  }
0xb2: {  	s0 =	rddreg [dreg:$0x0];
	s2 =	stileid.u32  }
0xb3: {  	s1 =	rddreg [dreg:$0x1];
	p0 =	sne.s32 s2, $0x0  }
0xb4: {  	s3 =	rddreg [dreg:$0x2];
	[bflag:$0x3] =	sbarrier.arrive $0xFFFF;
	s2 =	simm.s32 @!p0 $0x1C02  }
0xb5: {  	[timem:s3], [sflag:s2] =	dma.local @!p0 [hbm:s0], s1  }
0xb6: {  	s0 =	simm.s32 @!p0 $0x2  }
0xb7: {  	_ =	swait.ge @!p0 [sflag:s0], s1  }
0xb8: {  	s1 =	ssub.s32 @!p0 $0x0, s1;
	[sflag:s0] =	ssyncset.done @!p0 $0x0  }
0xb9: {  	[sflag:s0] =	ssyncadd.s32 @!p0 s1  }
0xba: {  	[bflag:$0x3] =	sbarrier.arrive $0xFFFF  }
0xbb: {  	_ =	shalt  }

</sc_bundles>
